<compile_context>
chip_gen: v7x
topology: tpu7x:2x2x1
jax: 0.10.2.dev20260603
libtpu: 0.0.44.dev20260713+nightly
codegen_flags: <defaults>
</compile_context>

<pallas_src>
import jax
import jax.numpy as jnp
from jax import lax
from jax.experimental import pallas as pl
from jax.experimental.pallas import tpu as pltpu
from jax.experimental.pallas import tpu_sc as plsc
from jax._src.pallas import mpmd as _plmpmd

QN = -127.0
QP = 127.0
MSB = 128

ROWS, COLS = 4096, 4096
BLOCK_ROWS = 512

NUM_WORKERS = 32
LANES = 16
CAP = 256
NPAD = 2048
ROWS_PER_W = ROWS // NUM_WORKERS


def _dense_body(alpha_ref, w_ref, o_ref):
    a = alpha_ref[0]
    q = jnp.clip(w_ref[...] / a, QN, QP)
    o_ref[...] = jnp.round(q) * a


_dense_quantize = pl.pallas_call(
    _dense_body,
    grid=(ROWS // BLOCK_ROWS,),
    in_specs=[
        pl.BlockSpec(memory_space=pltpu.SMEM),
        pl.BlockSpec((BLOCK_ROWS, COLS), lambda i: (i, 0)),
    ],
    out_specs=pl.BlockSpec((BLOCK_ROWS, COLS), lambda i: (i, 0)),
    out_shape=jax.ShapeDtypeStruct((ROWS, COLS), jnp.float32),
)


ROUND_MAGIC = 12582912.0


def _flip_body(idx_hbm, meta_hbm, alpha_hbm, w_hbm, wq_in, out_hbm,
               idx_v, meta_v, alpha_v, wslots, oslots, sem):
    del wq_in
    cid = lax.axis_index("c")
    sid = lax.axis_index("s")
    wid = sid * 2 + cid
    pltpu.sync_copy(meta_hbm, meta_v.at[pl.ds(0, 3 * NUM_WORKERS)])
    pltpu.sync_copy(alpha_hbm, alpha_v)
    base8 = pl.multiple_of(meta_v[pl.ds(wid, LANES)][0], 8)
    off = meta_v[pl.ds(NUM_WORKERS + wid, LANES)][0]
    cnt = meta_v[pl.ds(2 * NUM_WORKERS + wid, LANES)][0]
    pltpu.sync_copy(idx_hbm.at[pl.ds(base8, CAP + 8)],
                    idx_v.at[pl.ds(0, CAP + 8)])
    a = alpha_v[...]

    def flip_at(j):
        return idx_v[pl.ds(off + j, LANES)][0]

    def coords(idx):
        r = idx >> 12
        c = idx & (COLS - 1)
        cg = pl.multiple_of((c // LANES) * LANES, LANES)
        return r, c, cg

    def fire(j, carry):
        r, _, cg = coords(flip_at(j))
        pltpu.async_copy(w_hbm.at[r, pl.ds(cg, LANES)], wslots.at[j], sem)
        return carry

    lax.fori_loop(0, cnt, fire, 0)

    def drain(j, carry):
        pltpu.make_async_copy(w_hbm.at[0, pl.ds(0, LANES)], wslots.at[0],
                              sem).wait()
        return carry

    lax.fori_loop(0, cnt, drain, 0)

    def proc(j, h):
        idx = flip_at(j)
        prev = idx_v[pl.ds(jnp.maximum(off + j - 1, 0), LANES)][0]
        nxt = idx_v[pl.ds(off + j + 1, LANES)][0]
        head = jnp.logical_or(j == 0, (prev >> 4) != (idx >> 4))
        last = jnp.logical_or(j == cnt - 1, (nxt >> 4) != (idx >> 4))
        h = jnp.where(head, j, h)
        r, c, cg = coords(idx)
        lane = c - cg
        wgrp = wslots[j]
        sel = jnp.minimum(jnp.maximum(wgrp / a, QN), QP)
        vvec = (sel.astype(jnp.int32) ^ MSB).astype(jnp.float32) * a
        dense = ((sel + ROUND_MAGIC) - ROUND_MAGIC) * a

        @pl.when(head)
        def _():
            oslots[h] = dense

        cur = oslots[h]
        mask = lax.iota(jnp.int32, LANES) == lane
        oslots[h] = jnp.where(mask, vvec, cur)

        @pl.when(last)
        def _():
            pltpu.async_copy(oslots.at[h], out_hbm.at[r, pl.ds(cg, LANES)],
                             sem)

        return h

    lax.fori_loop(0, cnt, proc, jnp.int32(0))

    def sdrain(j, carry):
        idx = flip_at(j)
        nxt = idx_v[pl.ds(off + j + 1, LANES)][0]
        last = jnp.logical_or(j == cnt - 1, (nxt >> 4) != (idx >> 4))

        @pl.when(last)
        def _():
            pltpu.make_async_copy(w_hbm.at[0, pl.ds(0, LANES)], oslots.at[0],
                                  sem).wait()

        return carry

    lax.fori_loop(0, cnt, sdrain, 0)


_flip_scatter = _plmpmd._mpmd_map(
    [(plsc.VectorSubcoreMesh(core_axis_name="c", subcore_axis_name="s"),
      _flip_body)],
    out_types=jax.ShapeDtypeStruct((ROWS, COLS), jnp.float32),
    input_output_aliases={4: 0},
    scratch_types=[
        pltpu.VMEM((CAP + 8 + LANES,), jnp.int32),
        pltpu.VMEM((3 * NUM_WORKERS + LANES,), jnp.int32),
        pltpu.VMEM((LANES,), jnp.float32),
        pltpu.VMEM((CAP, LANES), jnp.float32),
        pltpu.VMEM((CAP, LANES), jnp.float32),
        pltpu.SemaphoreType.DMA,
    ],
)


def kernel(weight, alpha, flip_idx):
    alpha_eff = jnp.maximum(alpha[0], 1e-4)
    wq = _dense_quantize(alpha_eff.reshape(1), weight)

    nf = flip_idx.shape[0]
    fi = jnp.sort(flip_idx)
    rows = fi >> 12
    band = jnp.arange(NUM_WORKERS, dtype=jnp.int32) * ROWS_PER_W
    bounds = jnp.sum(rows[None, :] < band[:, None], axis=1,
                     dtype=jnp.int32)
    endb = jnp.concatenate([bounds[1:], jnp.full((1,), nf, jnp.int32)])
    cnts = endb - bounds
    base8 = (bounds // 8) * 8
    off = bounds - base8
    meta = jnp.concatenate([base8, off, cnts])
    idx_pad = jnp.concatenate(
        [fi, jnp.broadcast_to(fi[-1:], (NPAD - nf,))])
    alpha_vec = jnp.full((LANES,), alpha_eff, jnp.float32)
    out = _flip_scatter(idx_pad, meta, alpha_vec, weight, wq)
    return out

# --- scband reference (transcript-rebuilt; emitter-appended) ---
"""Pipeline reference for scband-weight-quantizer-fn-17927193493928 (READ-ONLY COPY).

The authoritative reference and input builder live on the scoring server;
editing this copy changes nothing except your own understanding.
"""

import math
import jax, jax.numpy as jnp
import numpy as np

N_BITS = 8
FLIP_RATIO = 1e-4
SIZE = (4096, 4096)


def setup_inputs(seed: int = 0) -> dict:
    key = jax.random.key(seed)
    weight = jax.random.normal(key, SIZE, dtype=jnp.float32)
    Qp = 2 ** (N_BITS - 1) - 1
    # LSQ-style init: alpha = 2 * mean(|w|) / sqrt(Qp), clamped to min 1e-4
    alpha = jnp.maximum(2.0 * jnp.mean(jnp.abs(weight)) / math.sqrt(Qp), 1e-4).reshape(1)
    n = SIZE[0] * SIZE[1]
    flip_num = math.ceil(n * FLIP_RATIO)
    # uniform sampling without replacement (WeightedRandomSampler with equal weights)
    flip_idx = jnp.asarray(np.random.default_rng(0).choice(n, size=flip_num, replace=False), dtype=jnp.int32)
    return {"weight": weight, "alpha": alpha, "flip_idx": flip_idx}


def reference(weight, alpha, flip_idx):
    Qn = -(2 ** (N_BITS - 1)) + 1
    Qp = 2 ** (N_BITS - 1) - 1
    g = 1.0 / math.sqrt(weight.size * Qp)
    alpha_c = jnp.maximum(alpha, 1e-4)
    # grad_scale: forward value = alpha, backward grad scaled by g
    alpha_s = alpha_c * g + jax.lax.stop_gradient(alpha_c - alpha_c * g)
    quantized = jnp.clip(weight / alpha_s, Qn, Qp)
    flat = quantized.reshape(-1)
    sel = flat[flip_idx]
    # MSB bit-flip: truncate-toward-zero int cast then XOR with 1 << (N_bits - 1)
    flipped = (sel.astype(jnp.int32) ^ (1 << (N_BITS - 1))).astype(jnp.float32)
    # .data.copy_ in torch bypasses autograd: value changes, gradient path unchanged
    flat = flat.at[flip_idx].set(sel + jax.lax.stop_gradient(flipped - sel))
    quantized = flat.reshape(weight.shape)
    # round_pass: straight-through rounding
    w_q = (quantized + jax.lax.stop_gradient(jnp.round(quantized) - quantized)) * alpha_s
    return w_q

if __name__ == "__main__":
    import jax
    _d = setup_inputs()
    print(jax.jit(kernel)(*tuple(_d.values())))

</pallas_src>

<mosaic_0001>
#map = affine_map<(d0, d1) -> (0)>
#map1 = affine_map<(d0, d1) -> (0, 0)>
module attributes {stable_mosaic.version = 14 : i64} {
  func.func @_flip_body(%arg0: i32, %arg1: i32, %arg2: memref<2048xi32, #tpu.memory_space<hbm>>, %arg3: memref<96xi32, #tpu.memory_space<hbm>>, %arg4: memref<16xf32, #tpu.memory_space<hbm>>, %arg5: memref<4096x4096xf32, #tpu.memory_space<hbm>>, %arg6: memref<4096x4096xf32, #tpu.memory_space<hbm>>, %arg7: memref<4096x4096xf32, #tpu.memory_space<hbm>>, %arg8: memref<280xi32, #tpu.memory_space<vmem>>, %arg9: memref<112xi32, #tpu.memory_space<vmem>>, %arg10: memref<16xf32, #tpu.memory_space<vmem>>, %arg11: memref<256x16xf32, #tpu.memory_space<vmem>>, %arg12: memref<256x16xf32, #tpu.memory_space<vmem>>, %arg13: memref<!tpu.dma_semaphore, #tpu.memory_space<semaphore_mem>>) attributes {dimension_semantics = [#tpu.dimension_semantics<core_parallel>, #tpu.dimension_semantics<subcore_parallel>], iteration_bounds = array<i64: 2, 16>, scalar_prefetch = 0 : i64, scratch_operands = 6 : i64, tpu.core_type = #tpu.core_type<sc_vector_subcore>, window_params = [{transform_indices = #map}, {transform_indices = #map}, {transform_indices = #map}, {transform_indices = #map1}, {transform_indices = #map1}, {transform_indices = #map1}]} {
    %mul3A = arith.constant 2 : i32
    %mul3A_0 = arith.muli %arg1, %mul3A : i32
    %add3A = arith.addi %mul3A_0, %arg0 : i32
    "tpu.region"() ({
      %run_scoped3A = tpu.sem_alloc : memref<!tpu.dma_semaphore, #tpu.memory_space<semaphore_mem>>
      %dma_start3A = arith.constant 0 : i32
      %dma_start3A_61 = tpu.memref_slice %arg9[%dma_start3A] : memref<112xi32, #tpu.memory_space<vmem>> -> memref<96xi32, #tpu.memory_space<vmem>>
      %dma_start3A_62 = arith.constant 0 : i32
      %dma_start3A_63 = tpu.memref_slice %arg9[%dma_start3A_62] : memref<112xi32, #tpu.memory_space<vmem>> -> memref<96xi32, #tpu.memory_space<vmem>>
      tpu.enqueue_dma source(%arg3 : memref<96xi32, #tpu.memory_space<hbm>>) target(%dma_start3A_63 : memref<96xi32, #tpu.memory_space<vmem>>) target_semaphore(%run_scoped3A : memref<!tpu.dma_semaphore, #tpu.memory_space<semaphore_mem>>)
      %dma_wait3A = arith.constant 0 : i32
      %dma_wait3A_64 = tpu.memref_slice %arg9[%dma_wait3A] : memref<112xi32, #tpu.memory_space<vmem>> -> memref<96xi32, #tpu.memory_space<vmem>>
      %dma_wait3A_65 = arith.constant 0 : i32
      %dma_wait3A_66 = tpu.memref_slice %arg9[%dma_wait3A_65] : memref<112xi32, #tpu.memory_space<vmem>> -> memref<96xi32, #tpu.memory_space<vmem>>
      tpu.wait_dma2 semaphore(%run_scoped3A : memref<!tpu.dma_semaphore, #tpu.memory_space<semaphore_mem>>) src(%arg3 : memref<96xi32, #tpu.memory_space<hbm>>) dst(%dma_wait3A_66 : memref<96xi32, #tpu.memory_space<vmem>>)
      tpu.yield
    }) : () -> ()
    "tpu.region"() ({
      %run_scoped3A = tpu.sem_alloc : memref<!tpu.dma_semaphore, #tpu.memory_space<semaphore_mem>>
      tpu.enqueue_dma source(%arg4 : memref<16xf32, #tpu.memory_space<hbm>>) target(%arg10 : memref<16xf32, #tpu.memory_space<vmem>>) target_semaphore(%run_scoped3A : memref<!tpu.dma_semaphore, #tpu.memory_space<semaphore_mem>>)
      tpu.wait_dma2 semaphore(%run_scoped3A : memref<!tpu.dma_semaphore, #tpu.memory_space<semaphore_mem>>) src(%arg4 : memref<16xf32, #tpu.memory_space<hbm>>) dst(%arg10 : memref<16xf32, #tpu.memory_space<vmem>>)
      tpu.yield
    }) : () -> ()
    %get3A = arith.index_cast %add3A : i32 to index
    %get3A_1 = tpu.vector_load %arg9[%get3A] {strides = array<i32>} : memref<112xi32, #tpu.memory_space<vmem>>, vector<16xi32>,
    %get3A_2 = vector.shape_cast %get3A_1 : vector<16xi32> to vector<16xi32>
    %slice3A = vector.extract_strided_slice %get3A_2 {offsets = [0], sizes = [1], strides = [1]} : vector<16xi32> to vector<1xi32>
    %squeeze3A = vector.extract %slice3A[0] : i32 from vector<1xi32>
    %multiple_of3A = tpu.assume_multiple %squeeze3A, 8 : i32
    %add3A_3 = arith.constant 32 : i32
    %add3A_4 = arith.addi %add3A_3, %add3A : i32
    %get3A_5 = arith.index_cast %add3A_4 : i32 to index
    %get3A_6 = tpu.vector_load %arg9[%get3A_5] {strides = array<i32>} : memref<112xi32, #tpu.memory_space<vmem>>, vector<16xi32>,
    %get3A_7 = vector.shape_cast %get3A_6 : vector<16xi32> to vector<16xi32>
    %slice3A_8 = vector.extract_strided_slice %get3A_7 {offsets = [0], sizes = [1], strides = [1]} : vector<16xi32> to vector<1xi32>
    %squeeze3A_9 = vector.extract %slice3A_8[0] : i32 from vector<1xi32>
    %add3A_10 = arith.constant 64 : i32
    %add3A_11 = arith.addi %add3A_10, %add3A : i32
    %get3A_12 = arith.index_cast %add3A_11 : i32 to index
    %get3A_13 = tpu.vector_load %arg9[%get3A_12] {strides = array<i32>} : memref<112xi32, #tpu.memory_space<vmem>>, vector<16xi32>,
    %get3A_14 = vector.shape_cast %get3A_13 : vector<16xi32> to vector<16xi32>
    %slice3A_15 = vector.extract_strided_slice %get3A_14 {offsets = [0], sizes = [1], strides = [1]} : vector<16xi32> to vector<1xi32>
    %squeeze3A_16 = vector.extract %slice3A_15[0] : i32 from vector<1xi32>
    "tpu.region"() ({
      %run_scoped3A = tpu.sem_alloc : memref<!tpu.dma_semaphore, #tpu.memory_space<semaphore_mem>>
      %dma_start3A = arith.constant 0 : i32
      %dma_start3A_61 = tpu.memref_slice %arg8[%dma_start3A] : memref<280xi32, #tpu.memory_space<vmem>> -> memref<264xi32, #tpu.memory_space<vmem>>
      %dma_start3A_62 = tpu.memref_slice %arg2[%multiple_of3A] : memref<2048xi32, #tpu.memory_space<hbm>> -> memref<264xi32, #tpu.memory_space<hbm>>
      %dma_start3A_63 = arith.constant 0 : i32
      %dma_start3A_64 = tpu.memref_slice %arg8[%dma_start3A_63] : memref<280xi32, #tpu.memory_space<vmem>> -> memref<264xi32, #tpu.memory_space<vmem>>
      %dma_start3A_65 = tpu.memref_slice %arg2[%multiple_of3A] : memref<2048xi32, #tpu.memory_space<hbm>> -> memref<264xi32, #tpu.memory_space<hbm>>
      tpu.enqueue_dma source(%dma_start3A_65 : memref<264xi32, #tpu.memory_space<hbm>>) target(%dma_start3A_64 : memref<264xi32, #tpu.memory_space<vmem>>) target_semaphore(%run_scoped3A : memref<!tpu.dma_semaphore, #tpu.memory_space<semaphore_mem>>)
      %dma_wait3A = arith.constant 0 : i32
      %dma_wait3A_66 = tpu.memref_slice %arg8[%dma_wait3A] : memref<280xi32, #tpu.memory_space<vmem>> -> memref<264xi32, #tpu.memory_space<vmem>>
      %dma_wait3A_67 = tpu.memref_slice %arg2[%multiple_of3A] : memref<2048xi32, #tpu.memory_space<hbm>> -> memref<264xi32, #tpu.memory_space<hbm>>
      %dma_wait3A_68 = arith.constant 0 : i32
      %dma_wait3A_69 = tpu.memref_slice %arg8[%dma_wait3A_68] : memref<280xi32, #tpu.memory_space<vmem>> -> memref<264xi32, #tpu.memory_space<vmem>>
      %dma_wait3A_70 = tpu.memref_slice %arg2[%multiple_of3A] : memref<2048xi32, #tpu.memory_space<hbm>> -> memref<264xi32, #tpu.memory_space<hbm>>
      tpu.wait_dma2 semaphore(%run_scoped3A : memref<!tpu.dma_semaphore, #tpu.memory_space<semaphore_mem>>) src(%dma_wait3A_70 : memref<264xi32, #tpu.memory_space<hbm>>) dst(%dma_wait3A_69 : memref<264xi32, #tpu.memory_space<vmem>>)
      tpu.yield
    }) : () -> ()
    %get3A_17 = arith.constant 0 : index
    %get3A_18 = tpu.vector_load %arg10[%get3A_17] {strides = array<i32>} : memref<16xf32, #tpu.memory_space<vmem>>, vector<16xf32>,
    %get3A_19 = vector.shape_cast %get3A_18 : vector<16xf32> to vector<16xf32>
    %while3A = arith.constant 0 : i32
    %while3A_20 = arith.constant 0 : i32
    %while3A_21 = arith.subi %squeeze3A_16, %while3A_20 : i32
    %while3A_22 = arith.addi %while3A_20, %while3A_21 : i32
    %while3A_23 = arith.constant 1 : i32
    %while3A_24 = arith.divsi %while3A_21, %while3A_23 : i32
    %while3A_25 = arith.muli %while3A_24, %while3A_23 : i32
    %while3A_26 = arith.addi %while3A_20, %while3A_25 : i32
    %while3A_27 = arith.constant 1 : i32
    scf.for %while3A_61 = %while3A_20 to %while3A_26 step %while3A_27  : i32 {
      %add3A_62 = arith.addi %squeeze3A_9, %while3A_61 : i32
      %get3A_63 = arith.index_cast %add3A_62 : i32 to index
      %get3A_64 = tpu.vector_load %arg8[%get3A_63] {strides = array<i32>} : memref<280xi32, #tpu.memory_space<vmem>>, vector<16xi32>,
      %get3A_65 = vector.shape_cast %get3A_64 : vector<16xi32> to vector<16xi32>
      %slice3A_66 = vector.extract_strided_slice %get3A_65 {offsets = [0], sizes = [1], strides = [1]} : vector<16xi32> to vector<1xi32>
      %squeeze3A_67 = vector.extract %slice3A_66[0] : i32 from vector<1xi32>
      %shift_right_arithmetic3A = arith.constant 12 : i32
      %shift_right_arithmetic3A_68 = arith.shrsi %squeeze3A_67, %shift_right_arithmetic3A : i32
      %and3A = arith.constant 4095 : i32
      %and3A_69 = arith.andi %squeeze3A_67, %and3A : i32
      %jit3A = arith.constant 16 : i32
      %div3A = arith.divsi %and3A_69, %jit3A : i32
      %sign3A = arith.constant 0 : i32
      %sign3A_70 = arith.cmpi sgt, %and3A_69, %sign3A : i32
      %sign3A_71 = arith.extui %sign3A_70 : i1 to i32
      %sign3A_72 = arith.constant 0 : i32
      %sign3A_73 = arith.cmpi slt, %and3A_69, %sign3A_72 : i32
      %sign3A_74 = arith.extui %sign3A_73 : i1 to i32
      %sign3A_75 = arith.subi %sign3A_71, %sign3A_74 : i32
      %sign3A_76 = arith.constant 0 : i32
      %sign3A_77 = arith.cmpi sgt, %jit3A, %sign3A_76 : i32
      %sign3A_78 = arith.extui %sign3A_77 : i1 to i32
      %sign3A_79 = arith.constant 0 : i32
      %sign3A_80 = arith.cmpi slt, %jit3A, %sign3A_79 : i32
      %sign3A_81 = arith.extui %sign3A_80 : i1 to i32
      %sign3A_82 = arith.subi %sign3A_78, %sign3A_81 : i32
      %ne3A = arith.cmpi ne, %sign3A_75, %sign3A_82 : i32
      %rem3A = arith.remsi %and3A_69, %jit3A : i32
      %ne3A_83 = arith.constant 0 : i32
      %ne3A_84 = arith.cmpi ne, %rem3A, %ne3A_83 : i32
      %and3A_85 = arith.andi %ne3A, %ne3A_84 : i1
      %sub3A = arith.constant 1 : i32
      %sub3A_86 = arith.subi %div3A, %sub3A : i32
      %select_n3A = arith.select %and3A_85, %sub3A_86, %div3A : i32
      %mul3A_87 = arith.constant 16 : i32
      %mul3A_88 = arith.muli %select_n3A, %mul3A_87 : i32
      %multiple_of3A_89 = tpu.assume_multiple %mul3A_88, 16 : i32
      %dma_start3A = arith.constant 0 : i32
      %dma_start3A_90 = tpu.memref_slice %arg11[%while3A_61, %dma_start3A] : memref<256x16xf32, #tpu.memory_space<vmem>> -> memref<1x16xf32, #tpu.memory_space<vmem>>
      %dma_start3A_91 = tpu.memref_squeeze %dma_start3A_90 : memref<1x16xf32, #tpu.memory_space<vmem>> -> memref<16xf32, #tpu.memory_space<vmem>>
      %dma_start3A_92 = tpu.memref_slice %arg5[%shift_right_arithmetic3A_68, %multiple_of3A_89] : memref<4096x4096xf32, #tpu.memory_space<hbm>> -> memref<1x16xf32, #tpu.memory_space<hbm>>
      %dma_start3A_93 = tpu.memref_squeeze %dma_start3A_92 : memref<1x16xf32, #tpu.memory_space<hbm>> -> memref<16xf32, #tpu.memory_space<hbm>>
      %dma_start3A_94 = arith.constant 0 : i32
      %dma_start3A_95 = tpu.memref_slice %arg11[%while3A_61, %dma_start3A_94] : memref<256x16xf32, #tpu.memory_space<vmem>> -> memref<1x16xf32, #tpu.memory_space<vmem>>
      %dma_start3A_96 = tpu.memref_squeeze %dma_start3A_95 : memref<1x16xf32, #tpu.memory_space<vmem>> -> memref<16xf32, #tpu.memory_space<vmem>>
      %dma_start3A_97 = tpu.memref_slice %arg5[%shift_right_arithmetic3A_68, %multiple_of3A_89] : memref<4096x4096xf32, #tpu.memory_space<hbm>> -> memref<1x16xf32, #tpu.memory_space<hbm>>
      %dma_start3A_98 = tpu.memref_squeeze %dma_start3A_97 : memref<1x16xf32, #tpu.memory_space<hbm>> -> memref<16xf32, #tpu.memory_space<hbm>>
      tpu.enqueue_dma source(%dma_start3A_98 : memref<16xf32, #tpu.memory_space<hbm>>) target(%dma_start3A_96 : memref<16xf32, #tpu.memory_space<vmem>>) target_semaphore(%arg13 : memref<!tpu.dma_semaphore, #tpu.memory_space<semaphore_mem>>)
    }
    %while3A_28 = arith.constant 1 : i32
    scf.for %while3A_61 = %while3A_26 to %while3A_22 step %while3A_28  : i32 {
      %add3A_62 = arith.addi %squeeze3A_9, %while3A_61 : i32
      %get3A_63 = arith.index_cast %add3A_62 : i32 to index
      %get3A_64 = tpu.vector_load %arg8[%get3A_63] {strides = array<i32>} : memref<280xi32, #tpu.memory_space<vmem>>, vector<16xi32>,
      %get3A_65 = vector.shape_cast %get3A_64 : vector<16xi32> to vector<16xi32>
      %slice3A_66 = vector.extract_strided_slice %get3A_65 {offsets = [0], sizes = [1], strides = [1]} : vector<16xi32> to vector<1xi32>
      %squeeze3A_67 = vector.extract %slice3A_66[0] : i32 from vector<1xi32>
      %shift_right_arithmetic3A = arith.constant 12 : i32
      %shift_right_arithmetic3A_68 = arith.shrsi %squeeze3A_67, %shift_right_arithmetic3A : i32
      %and3A = arith.constant 4095 : i32
      %and3A_69 = arith.andi %squeeze3A_67, %and3A : i32
      %jit3A = arith.constant 16 : i32
      %div3A = arith.divsi %and3A_69, %jit3A : i32
      %sign3A = arith.constant 0 : i32
      %sign3A_70 = arith.cmpi sgt, %and3A_69, %sign3A : i32
      %sign3A_71 = arith.extui %sign3A_70 : i1 to i32
      %sign3A_72 = arith.constant 0 : i32
      %sign3A_73 = arith.cmpi slt, %and3A_69, %sign3A_72 : i32
      %sign3A_74 = arith.extui %sign3A_73 : i1 to i32
      %sign3A_75 = arith.subi %sign3A_71, %sign3A_74 : i32
      %sign3A_76 = arith.constant 0 : i32
      %sign3A_77 = arith.cmpi sgt, %jit3A, %sign3A_76 : i32
      %sign3A_78 = arith.extui %sign3A_77 : i1 to i32
      %sign3A_79 = arith.constant 0 : i32
      %sign3A_80 = arith.cmpi slt, %jit3A, %sign3A_79 : i32
      %sign3A_81 = arith.extui %sign3A_80 : i1 to i32
      %sign3A_82 = arith.subi %sign3A_78, %sign3A_81 : i32
      %ne3A = arith.cmpi ne, %sign3A_75, %sign3A_82 : i32
      %rem3A = arith.remsi %and3A_69, %jit3A : i32
      %ne3A_83 = arith.constant 0 : i32
      %ne3A_84 = arith.cmpi ne, %rem3A, %ne3A_83 : i32
      %and3A_85 = arith.andi %ne3A, %ne3A_84 : i1
      %sub3A = arith.constant 1 : i32
      %sub3A_86 = arith.subi %div3A, %sub3A : i32
      %select_n3A = arith.select %and3A_85, %sub3A_86, %div3A : i32
      %mul3A_87 = arith.constant 16 : i32
      %mul3A_88 = arith.muli %select_n3A, %mul3A_87 : i32
      %multiple_of3A_89 = tpu.assume_multiple %mul3A_88, 16 : i32
      %dma_start3A = arith.constant 0 : i32
      %dma_start3A_90 = tpu.memref_slice %arg11[%while3A_61, %dma_start3A] : memref<256x16xf32, #tpu.memory_space<vmem>> -> memref<1x16xf32, #tpu.memory_space<vmem>>
      %dma_start3A_91 = tpu.memref_squeeze %dma_start3A_90 : memref<1x16xf32, #tpu.memory_space<vmem>> -> memref<16xf32, #tpu.memory_space<vmem>>
      %dma_start3A_92 = tpu.memref_slice %arg5[%shift_right_arithmetic3A_68, %multiple_of3A_89] : memref<4096x4096xf32, #tpu.memory_space<hbm>> -> memref<1x16xf32, #tpu.memory_space<hbm>>
      %dma_start3A_93 = tpu.memref_squeeze %dma_start3A_92 : memref<1x16xf32, #tpu.memory_space<hbm>> -> memref<16xf32, #tpu.memory_space<hbm>>
      %dma_start3A_94 = arith.constant 0 : i32
      %dma_start3A_95 = tpu.memref_slice %arg11[%while3A_61, %dma_start3A_94] : memref<256x16xf32, #tpu.memory_space<vmem>> -> memref<1x16xf32, #tpu.memory_space<vmem>>
      %dma_start3A_96 = tpu.memref_squeeze %dma_start3A_95 : memref<1x16xf32, #tpu.memory_space<vmem>> -> memref<16xf32, #tpu.memory_space<vmem>>
      %dma_start3A_97 = tpu.memref_slice %arg5[%shift_right_arithmetic3A_68, %multiple_of3A_89] : memref<4096x4096xf32, #tpu.memory_space<hbm>> -> memref<1x16xf32, #tpu.memory_space<hbm>>
      %dma_start3A_98 = tpu.memref_squeeze %dma_start3A_97 : memref<1x16xf32, #tpu.memory_space<hbm>> -> memref<16xf32, #tpu.memory_space<hbm>>
      tpu.enqueue_dma source(%dma_start3A_98 : memref<16xf32, #tpu.memory_space<hbm>>) target(%dma_start3A_96 : memref<16xf32, #tpu.memory_space<vmem>>) target_semaphore(%arg13 : memref<!tpu.dma_semaphore, #tpu.memory_space<semaphore_mem>>)
    }
    %while3A_29 = arith.constant 0 : i32
    %while3A_30 = arith.constant 0 : i32
    %while3A_31 = arith.subi %squeeze3A_16, %while3A_30 : i32
    %while3A_32 = arith.addi %while3A_30, %while3A_31 : i32
    %while3A_33 = arith.constant 1 : i32
    %while3A_34 = arith.divsi %while3A_31, %while3A_33 : i32
    %while3A_35 = arith.muli %while3A_34, %while3A_33 : i32
    %while3A_36 = arith.addi %while3A_30, %while3A_35 : i32
    %while3A_37 = arith.constant 1 : i32
    scf.for %while3A_61 = %while3A_30 to %while3A_36 step %while3A_37  : i32 {
      %dma_wait3A = arith.constant 0 : i32
      %dma_wait3A_62 = arith.constant 0 : i32
      %dma_wait3A_63 = arith.constant 0 : i32
      %dma_wait3A_64 = tpu.memref_slice %arg11[%dma_wait3A_62, %dma_wait3A_63] : memref<256x16xf32, #tpu.memory_space<vmem>> -> memref<1x16xf32, #tpu.memory_space<vmem>>
      %dma_wait3A_65 = tpu.memref_squeeze %dma_wait3A_64 : memref<1x16xf32, #tpu.memory_space<vmem>> -> memref<16xf32, #tpu.memory_space<vmem>>
      %dma_wait3A_66 = arith.constant 0 : i32
      %dma_wait3A_67 = tpu.memref_slice %arg5[%dma_wait3A, %dma_wait3A_66] : memref<4096x4096xf32, #tpu.memory_space<hbm>> -> memref<1x16xf32, #tpu.memory_space<hbm>>
      %dma_wait3A_68 = tpu.memref_squeeze %dma_wait3A_67 : memref<1x16xf32, #tpu.memory_space<hbm>> -> memref<16xf32, #tpu.memory_space<hbm>>
      %dma_wait3A_69 = arith.constant 0 : i32
      %dma_wait3A_70 = tpu.memref_slice %arg11[%dma_wait3A_62, %dma_wait3A_69] : memref<256x16xf32, #tpu.memory_space<vmem>> -> memref<1x16xf32, #tpu.memory_space<vmem>>
      %dma_wait3A_71 = tpu.memref_squeeze %dma_wait3A_70 : memref<1x16xf32, #tpu.memory_space<vmem>> -> memref<16xf32, #tpu.memory_space<vmem>>
      %dma_wait3A_72 = arith.constant 0 : i32
      %dma_wait3A_73 = tpu.memref_slice %arg5[%dma_wait3A, %dma_wait3A_72] : memref<4096x4096xf32, #tpu.memory_space<hbm>> -> memref<1x16xf32, #tpu.memory_space<hbm>>
      %dma_wait3A_74 = tpu.memref_squeeze %dma_wait3A_73 : memref<1x16xf32, #tpu.memory_space<hbm>> -> memref<16xf32, #tpu.memory_space<hbm>>
      tpu.wait_dma2 semaphore(%arg13 : memref<!tpu.dma_semaphore, #tpu.memory_space<semaphore_mem>>) src(%dma_wait3A_74 : memref<16xf32, #tpu.memory_space<hbm>>) dst(%dma_wait3A_71 : memref<16xf32, #tpu.memory_space<vmem>>)
    }
    %while3A_38 = arith.constant 1 : i32
    scf.for %while3A_61 = %while3A_36 to %while3A_32 step %while3A_38  : i32 {
      %dma_wait3A = arith.constant 0 : i32
      %dma_wait3A_62 = arith.constant 0 : i32
      %dma_wait3A_63 = arith.constant 0 : i32
      %dma_wait3A_64 = tpu.memref_slice %arg11[%dma_wait3A_62, %dma_wait3A_63] : memref<256x16xf32, #tpu.memory_space<vmem>> -> memref<1x16xf32, #tpu.memory_space<vmem>>
      %dma_wait3A_65 = tpu.memref_squeeze %dma_wait3A_64 : memref<1x16xf32, #tpu.memory_space<vmem>> -> memref<16xf32, #tpu.memory_space<vmem>>
      %dma_wait3A_66 = arith.constant 0 : i32
      %dma_wait3A_67 = tpu.memref_slice %arg5[%dma_wait3A, %dma_wait3A_66] : memref<4096x4096xf32, #tpu.memory_space<hbm>> -> memref<1x16xf32, #tpu.memory_space<hbm>>
      %dma_wait3A_68 = tpu.memref_squeeze %dma_wait3A_67 : memref<1x16xf32, #tpu.memory_space<hbm>> -> memref<16xf32, #tpu.memory_space<hbm>>
      %dma_wait3A_69 = arith.constant 0 : i32
      %dma_wait3A_70 = tpu.memref_slice %arg11[%dma_wait3A_62, %dma_wait3A_69] : memref<256x16xf32, #tpu.memory_space<vmem>> -> memref<1x16xf32, #tpu.memory_space<vmem>>
      %dma_wait3A_71 = tpu.memref_squeeze %dma_wait3A_70 : memref<1x16xf32, #tpu.memory_space<vmem>> -> memref<16xf32, #tpu.memory_space<vmem>>
      %dma_wait3A_72 = arith.constant 0 : i32
      %dma_wait3A_73 = tpu.memref_slice %arg5[%dma_wait3A, %dma_wait3A_72] : memref<4096x4096xf32, #tpu.memory_space<hbm>> -> memref<1x16xf32, #tpu.memory_space<hbm>>
      %dma_wait3A_74 = tpu.memref_squeeze %dma_wait3A_73 : memref<1x16xf32, #tpu.memory_space<hbm>> -> memref<16xf32, #tpu.memory_space<hbm>>
      tpu.wait_dma2 semaphore(%arg13 : memref<!tpu.dma_semaphore, #tpu.memory_space<semaphore_mem>>) src(%dma_wait3A_74 : memref<16xf32, #tpu.memory_space<hbm>>) dst(%dma_wait3A_71 : memref<16xf32, #tpu.memory_space<vmem>>)
    }
    %while3A_39 = arith.constant 0 : i32
    %while3A_40 = arith.constant 0 : i32
    %while3A_41 = arith.subi %squeeze3A_16, %while3A_39 : i32
    %while3A_42 = arith.addi %while3A_39, %while3A_41 : i32
    %while3A_43 = arith.constant 1 : i32
    %while3A_44 = arith.divsi %while3A_41, %while3A_43 : i32
    %while3A_45 = arith.muli %while3A_44, %while3A_43 : i32
    %while3A_46 = arith.addi %while3A_39, %while3A_45 : i32
    %while3A_47 = arith.constant 1 : i32
    %while3A_48 = scf.for %while3A_61 = %while3A_39 to %while3A_46 step %while3A_47 iter_args(%while3A_62 = %while3A_40) -> (i32)  : i32 {
      %add3A_63 = arith.addi %squeeze3A_9, %while3A_61 : i32
      %get3A_64 = arith.index_cast %add3A_63 : i32 to index
      %get3A_65 = tpu.vector_load %arg8[%get3A_64] {strides = array<i32>} : memref<280xi32, #tpu.memory_space<vmem>>, vector<16xi32>,
      %get3A_66 = vector.shape_cast %get3A_65 : vector<16xi32> to vector<16xi32>
      %slice3A_67 = vector.extract_strided_slice %get3A_66 {offsets = [0], sizes = [1], strides = [1]} : vector<16xi32> to vector<1xi32>
      %squeeze3A_68 = vector.extract %slice3A_67[0] : i32 from vector<1xi32>
      %add3A_69 = arith.addi %squeeze3A_9, %while3A_61 : i32
      %sub3A = arith.constant 1 : i32
      %sub3A_70 = arith.subi %add3A_69, %sub3A : i32
      %max3A = arith.constant 0 : i32
      %max3A_71 = arith.maxsi %sub3A_70, %max3A : i32
      %get3A_72 = arith.index_cast %max3A_71 : i32 to index
      %get3A_73 = tpu.vector_load %arg8[%get3A_72] {strides = array<i32>} : memref<280xi32, #tpu.memory_space<vmem>>, vector<16xi32>,
      %get3A_74 = vector.shape_cast %get3A_73 : vector<16xi32> to vector<16xi32>
      %slice3A_75 = vector.extract_strided_slice %get3A_74 {offsets = [0], sizes = [1], strides = [1]} : vector<16xi32> to vector<1xi32>
      %squeeze3A_76 = vector.extract %slice3A_75[0] : i32 from vector<1xi32>
      %add3A_77 = arith.addi %squeeze3A_9, %while3A_61 : i32
      %add3A_78 = arith.constant 1 : i32
      %add3A_79 = arith.addi %add3A_77, %add3A_78 : i32
      %get3A_80 = arith.index_cast %add3A_79 : i32 to index
      %get3A_81 = tpu.vector_load %arg8[%get3A_80] {strides = array<i32>} : memref<280xi32, #tpu.memory_space<vmem>>, vector<16xi32>,
      %get3A_82 = vector.shape_cast %get3A_81 : vector<16xi32> to vector<16xi32>
      %slice3A_83 = vector.extract_strided_slice %get3A_82 {offsets = [0], sizes = [1], strides = [1]} : vector<16xi32> to vector<1xi32>
      %squeeze3A_84 = vector.extract %slice3A_83[0] : i32 from vector<1xi32>
      %eq3A = arith.constant 0 : i32
      %eq3A_85 = arith.cmpi eq, %while3A_61, %eq3A : i32
      %shift_right_arithmetic3A = arith.constant 4 : i32
      %shift_right_arithmetic3A_86 = arith.shrsi %squeeze3A_76, %shift_right_arithmetic3A : i32
      %shift_right_arithmetic3A_87 = arith.constant 4 : i32
      %shift_right_arithmetic3A_88 = arith.shrsi %squeeze3A_68, %shift_right_arithmetic3A_87 : i32
      %ne3A = arith.cmpi ne, %shift_right_arithmetic3A_86, %shift_right_arithmetic3A_88 : i32
      %or3A = arith.ori %eq3A_85, %ne3A : i1
      %sub3A_89 = arith.constant 1 : i32
      %sub3A_90 = arith.subi %squeeze3A_16, %sub3A_89 : i32
      %eq3A_91 = arith.cmpi eq, %while3A_61, %sub3A_90 : i32
      %shift_right_arithmetic3A_92 = arith.constant 4 : i32
      %shift_right_arithmetic3A_93 = arith.shrsi %squeeze3A_84, %shift_right_arithmetic3A_92 : i32
      %shift_right_arithmetic3A_94 = arith.constant 4 : i32
      %shift_right_arithmetic3A_95 = arith.shrsi %squeeze3A_68, %shift_right_arithmetic3A_94 : i32
      %ne3A_96 = arith.cmpi ne, %shift_right_arithmetic3A_93, %shift_right_arithmetic3A_95 : i32
      %or3A_97 = arith.ori %eq3A_91, %ne3A_96 : i1
      %select_n3A = arith.select %or3A, %while3A_61, %while3A_62 : i32
      %shift_right_arithmetic3A_98 = arith.constant 12 : i32
      %shift_right_arithmetic3A_99 = arith.shrsi %squeeze3A_68, %shift_right_arithmetic3A_98 : i32
      %and3A = arith.constant 4095 : i32
      %and3A_100 = arith.andi %squeeze3A_68, %and3A : i32
      %jit3A = arith.constant 16 : i32
      %div3A = arith.divsi %and3A_100, %jit3A : i32
      %sign3A = arith.constant 0 : i32
      %sign3A_101 = arith.cmpi sgt, %and3A_100, %sign3A : i32
      %sign3A_102 = arith.extui %sign3A_101 : i1 to i32
      %sign3A_103 = arith.constant 0 : i32
      %sign3A_104 = arith.cmpi slt, %and3A_100, %sign3A_103 : i32
      %sign3A_105 = arith.extui %sign3A_104 : i1 to i32
      %sign3A_106 = arith.subi %sign3A_102, %sign3A_105 : i32
      %sign3A_107 = arith.constant 0 : i32
      %sign3A_108 = arith.cmpi sgt, %jit3A, %sign3A_107 : i32
      %sign3A_109 = arith.extui %sign3A_108 : i1 to i32
      %sign3A_110 = arith.constant 0 : i32
      %sign3A_111 = arith.cmpi slt, %jit3A, %sign3A_110 : i32
      %sign3A_112 = arith.extui %sign3A_111 : i1 to i32
      %sign3A_113 = arith.subi %sign3A_109, %sign3A_112 : i32
      %ne3A_114 = arith.cmpi ne, %sign3A_106, %sign3A_113 : i32
      %rem3A = arith.remsi %and3A_100, %jit3A : i32
      %ne3A_115 = arith.constant 0 : i32
      %ne3A_116 = arith.cmpi ne, %rem3A, %ne3A_115 : i32
      %and3A_117 = arith.andi %ne3A_114, %ne3A_116 : i1
      %sub3A_118 = arith.constant 1 : i32
      %sub3A_119 = arith.subi %div3A, %sub3A_118 : i32
      %select_n3A_120 = arith.select %and3A_117, %sub3A_119, %div3A : i32
      %mul3A_121 = arith.constant 16 : i32
      %mul3A_122 = arith.muli %select_n3A_120, %mul3A_121 : i32
      %multiple_of3A_123 = tpu.assume_multiple %mul3A_122, 16 : i32
      %sub3A_124 = arith.subi %and3A_100, %multiple_of3A_123 : i32
      %get3A_125 = arith.index_cast %while3A_61 : i32 to index
      %get3A_126 = arith.constant 0 : index
      %get3A_127 = tpu.vector_load %arg11[%get3A_125, %get3A_126] {strides = array<i32>} : memref<256x16xf32, #tpu.memory_space<vmem>>, vector<1x16xf32>,
      %get3A_128 = vector.shape_cast %get3A_127 : vector<1x16xf32> to vector<16xf32>
      %div3A_129 = arith.divf %get3A_128, %get3A_19 : vector<16xf32>
      %max3A_130 = arith.constant -1.270000e+02 : f32
      %max3A_131 = vector.broadcast %max3A_130 : f32 to vector<16xf32>
      %max3A_132 = arith.maximumf %div3A_129, %max3A_131 : vector<16xf32>
      %min3A = arith.constant 1.270000e+02 : f32
      %min3A_133 = vector.broadcast %min3A : f32 to vector<16xf32>
      %min3A_134 = arith.minimumf %max3A_132, %min3A_133 : vector<16xf32>
      %convert_element_type3A = arith.fptosi %min3A_134 : vector<16xf32> to vector<16xi32>
      %xor3A = arith.constant 128 : i32
      %xor3A_135 = vector.broadcast %xor3A : i32 to vector<16xi32>
      %xor3A_136 = arith.xori %convert_element_type3A, %xor3A_135 : vector<16xi32>
      %convert_element_type3A_137 = arith.sitofp %xor3A_136 : vector<16xi32> to vector<16xf32>
      %mul3A_138 = arith.mulf %convert_element_type3A_137, %get3A_19 : vector<16xf32>
      %add3A_139 = arith.constant 0x4B400000 : f32
      %add3A_140 = vector.broadcast %add3A_139 : f32 to vector<16xf32>
      %add3A_141 = arith.addf %min3A_134, %add3A_140 : vector<16xf32>
      %sub3A_142 = arith.constant 0x4B400000 : f32
      %sub3A_143 = vector.broadcast %sub3A_142 : f32 to vector<16xf32>
      %sub3A_144 = arith.subf %add3A_141, %sub3A_143 : vector<16xf32>
      %mul3A_145 = arith.mulf %sub3A_144, %get3A_19 : vector<16xf32>
      %convert_element_type3A_146 = arith.extui %or3A : i1 to i32
      %cond3A = arith.constant 0 : i32
      %cond3A_147 = arith.cmpi ne, %convert_element_type3A_146, %cond3A : i32
      scf.if %cond3A_147 {
        %swap3A_162 = arith.index_cast %select_n3A : i32 to index
        %swap3A_163 = arith.constant 0 : index
        %swap3A_164 = tpu.vector_load %arg12[%swap3A_162, %swap3A_163] {strides = array<i32>} : memref<256x16xf32, #tpu.memory_space<vmem>>, vector<1x16xf32>,
        %swap3A_165 = vector.shape_cast %swap3A_164 : vector<1x16xf32> to vector<16xf32>
        %swap3A_166 = vector.shape_cast %mul3A_145 : vector<16xf32> to vector<1x16xf32>
        tpu.vector_store %arg12[%swap3A_162, %swap3A_163], %swap3A_166 {strides = array<i32>} : memref<256x16xf32, #tpu.memory_space<vmem>>, vector<1x16xf32>,
      } else {
      }
      %get3A_148 = arith.index_cast %select_n3A : i32 to index
      %get3A_149 = arith.constant 0 : index
      %get3A_150 = tpu.vector_load %arg12[%get3A_148, %get3A_149] {strides = array<i32>} : memref<256x16xf32, #tpu.memory_space<vmem>>, vector<1x16xf32>,
      %get3A_151 = vector.shape_cast %get3A_150 : vector<1x16xf32> to vector<16xf32>
      %iota3A = tpu.iota {dimensions = array<i32: 0>} : vector<16xi32>
      %eq3A_152 = vector.broadcast %sub3A_124 : i32 to vector<16xi32>
      %eq3A_153 = arith.cmpi eq, %iota3A, %eq3A_152 : vector<16xi32>
      %select_n3A_154 = arith.select %eq3A_153, %mul3A_138, %get3A_151 : vector<16xi1>, vector<16xf32>
      %swap3A = arith.index_cast %select_n3A : i32 to index
      %swap3A_155 = arith.constant 0 : index
      %swap3A_156 = tpu.vector_load %arg12[%swap3A, %swap3A_155] {strides = array<i32>} : memref<256x16xf32, #tpu.memory_space<vmem>>, vector<1x16xf32>,
      %swap3A_157 = vector.shape_cast %swap3A_156 : vector<1x16xf32> to vector<16xf32>
      %swap3A_158 = vector.shape_cast %select_n3A_154 : vector<16xf32> to vector<1x16xf32>
      tpu.vector_store %arg12[%swap3A, %swap3A_155], %swap3A_158 {strides = array<i32>} : memref<256x16xf32, #tpu.memory_space<vmem>>, vector<1x16xf32>,
      %convert_element_type3A_159 = arith.extui %or3A_97 : i1 to i32
      %cond3A_160 = arith.constant 0 : i32
      %cond3A_161 = arith.cmpi ne, %convert_element_type3A_159, %cond3A_160 : i32
      scf.if %cond3A_161 {
        %dma_start3A = arith.constant 0 : i32
        %dma_start3A_162 = tpu.memref_slice %arg12[%select_n3A, %dma_start3A] : memref<256x16xf32, #tpu.memory_space<vmem>> -> memref<1x16xf32, #tpu.memory_space<vmem>>
        %dma_start3A_163 = tpu.memref_squeeze %dma_start3A_162 : memref<1x16xf32, #tpu.memory_space<vmem>> -> memref<16xf32, #tpu.memory_space<vmem>>
        %dma_start3A_164 = tpu.memref_slice %arg7[%shift_right_arithmetic3A_99, %multiple_of3A_123] : memref<4096x4096xf32, #tpu.memory_space<hbm>> -> memref<1x16xf32, #tpu.memory_space<hbm>>
        %dma_start3A_165 = tpu.memref_squeeze %dma_start3A_164 : memref<1x16xf32, #tpu.memory_space<hbm>> -> memref<16xf32, #tpu.memory_space<hbm>>
        %dma_start3A_166 = tpu.memref_slice %arg7[%shift_right_arithmetic3A_99, %multiple_of3A_123] : memref<4096x4096xf32, #tpu.memory_space<hbm>> -> memref<1x16xf32, #tpu.memory_space<hbm>>
        %dma_start3A_167 = tpu.memref_squeeze %dma_start3A_166 : memref<1x16xf32, #tpu.memory_space<hbm>> -> memref<16xf32, #tpu.memory_space<hbm>>
        %dma_start3A_168 = arith.constant 0 : i32
        %dma_start3A_169 = tpu.memref_slice %arg12[%select_n3A, %dma_start3A_168] : memref<256x16xf32, #tpu.memory_space<vmem>> -> memref<1x16xf32, #tpu.memory_space<vmem>>
        %dma_start3A_170 = tpu.memref_squeeze %dma_start3A_169 : memref<1x16xf32, #tpu.memory_space<vmem>> -> memref<16xf32, #tpu.memory_space<vmem>>
        tpu.enqueue_dma source(%dma_start3A_170 : memref<16xf32, #tpu.memory_space<vmem>>) target(%dma_start3A_167 : memref<16xf32, #tpu.memory_space<hbm>>) target_semaphore(%arg13 : memref<!tpu.dma_semaphore, #tpu.memory_space<semaphore_mem>>)
      } else {
      }
      scf.yield %select_n3A : i32
    }
    %while3A_49 = arith.constant 1 : i32
    %while3A_50 = scf.for %while3A_61 = %while3A_46 to %while3A_42 step %while3A_49 iter_args(%while3A_62 = %while3A_48) -> (i32)  : i32 {
      %add3A_63 = arith.addi %squeeze3A_9, %while3A_61 : i32
      %get3A_64 = arith.index_cast %add3A_63 : i32 to index
      %get3A_65 = tpu.vector_load %arg8[%get3A_64] {strides = array<i32>} : memref<280xi32, #tpu.memory_space<vmem>>, vector<16xi32>,
      %get3A_66 = vector.shape_cast %get3A_65 : vector<16xi32> to vector<16xi32>
      %slice3A_67 = vector.extract_strided_slice %get3A_66 {offsets = [0], sizes = [1], strides = [1]} : vector<16xi32> to vector<1xi32>
      %squeeze3A_68 = vector.extract %slice3A_67[0] : i32 from vector<1xi32>
      %add3A_69 = arith.addi %squeeze3A_9, %while3A_61 : i32
      %sub3A = arith.constant 1 : i32
      %sub3A_70 = arith.subi %add3A_69, %sub3A : i32
      %max3A = arith.constant 0 : i32
      %max3A_71 = arith.maxsi %sub3A_70, %max3A : i32
      %get3A_72 = arith.index_cast %max3A_71 : i32 to index
      %get3A_73 = tpu.vector_load %arg8[%get3A_72] {strides = array<i32>} : memref<280xi32, #tpu.memory_space<vmem>>, vector<16xi32>,
      %get3A_74 = vector.shape_cast %get3A_73 : vector<16xi32> to vector<16xi32>
      %slice3A_75 = vector.extract_strided_slice %get3A_74 {offsets = [0], sizes = [1], strides = [1]} : vector<16xi32> to vector<1xi32>
      %squeeze3A_76 = vector.extract %slice3A_75[0] : i32 from vector<1xi32>
      %add3A_77 = arith.addi %squeeze3A_9, %while3A_61 : i32
      %add3A_78 = arith.constant 1 : i32
      %add3A_79 = arith.addi %add3A_77, %add3A_78 : i32
      %get3A_80 = arith.index_cast %add3A_79 : i32 to index
      %get3A_81 = tpu.vector_load %arg8[%get3A_80] {strides = array<i32>} : memref<280xi32, #tpu.memory_space<vmem>>, vector<16xi32>,
      %get3A_82 = vector.shape_cast %get3A_81 : vector<16xi32> to vector<16xi32>
      %slice3A_83 = vector.extract_strided_slice %get3A_82 {offsets = [0], sizes = [1], strides = [1]} : vector<16xi32> to vector<1xi32>
      %squeeze3A_84 = vector.extract %slice3A_83[0] : i32 from vector<1xi32>
      %eq3A = arith.constant 0 : i32
      %eq3A_85 = arith.cmpi eq, %while3A_61, %eq3A : i32
      %shift_right_arithmetic3A = arith.constant 4 : i32
      %shift_right_arithmetic3A_86 = arith.shrsi %squeeze3A_76, %shift_right_arithmetic3A : i32
      %shift_right_arithmetic3A_87 = arith.constant 4 : i32
      %shift_right_arithmetic3A_88 = arith.shrsi %squeeze3A_68, %shift_right_arithmetic3A_87 : i32
      %ne3A = arith.cmpi ne, %shift_right_arithmetic3A_86, %shift_right_arithmetic3A_88 : i32
      %or3A = arith.ori %eq3A_85, %ne3A : i1
      %sub3A_89 = arith.constant 1 : i32
      %sub3A_90 = arith.subi %squeeze3A_16, %sub3A_89 : i32
      %eq3A_91 = arith.cmpi eq, %while3A_61, %sub3A_90 : i32
      %shift_right_arithmetic3A_92 = arith.constant 4 : i32
      %shift_right_arithmetic3A_93 = arith.shrsi %squeeze3A_84, %shift_right_arithmetic3A_92 : i32
      %shift_right_arithmetic3A_94 = arith.constant 4 : i32
      %shift_right_arithmetic3A_95 = arith.shrsi %squeeze3A_68, %shift_right_arithmetic3A_94 : i32
      %ne3A_96 = arith.cmpi ne, %shift_right_arithmetic3A_93, %shift_right_arithmetic3A_95 : i32
      %or3A_97 = arith.ori %eq3A_91, %ne3A_96 : i1
      %select_n3A = arith.select %or3A, %while3A_61, %while3A_62 : i32
      %shift_right_arithmetic3A_98 = arith.constant 12 : i32
      %shift_right_arithmetic3A_99 = arith.shrsi %squeeze3A_68, %shift_right_arithmetic3A_98 : i32
      %and3A = arith.constant 4095 : i32
      %and3A_100 = arith.andi %squeeze3A_68, %and3A : i32
      %jit3A = arith.constant 16 : i32
      %div3A = arith.divsi %and3A_100, %jit3A : i32
      %sign3A = arith.constant 0 : i32
      %sign3A_101 = arith.cmpi sgt, %and3A_100, %sign3A : i32
      %sign3A_102 = arith.extui %sign3A_101 : i1 to i32
      %sign3A_103 = arith.constant 0 : i32
      %sign3A_104 = arith.cmpi slt, %and3A_100, %sign3A_103 : i32
      %sign3A_105 = arith.extui %sign3A_104 : i1 to i32
      %sign3A_106 = arith.subi %sign3A_102, %sign3A_105 : i32
      %sign3A_107 = arith.constant 0 : i32
      %sign3A_108 = arith.cmpi sgt, %jit3A, %sign3A_107 : i32
      %sign3A_109 = arith.extui %sign3A_108 : i1 to i32
      %sign3A_110 = arith.constant 0 : i32
      %sign3A_111 = arith.cmpi slt, %jit3A, %sign3A_110 : i32
      %sign3A_112 = arith.extui %sign3A_111 : i1 to i32
      %sign3A_113 = arith.subi %sign3A_109, %sign3A_112 : i32
      %ne3A_114 = arith.cmpi ne, %sign3A_106, %sign3A_113 : i32
      %rem3A = arith.remsi %and3A_100, %jit3A : i32
      %ne3A_115 = arith.constant 0 : i32
      %ne3A_116 = arith.cmpi ne, %rem3A, %ne3A_115 : i32
      %and3A_117 = arith.andi %ne3A_114, %ne3A_116 : i1
      %sub3A_118 = arith.constant 1 : i32
      %sub3A_119 = arith.subi %div3A, %sub3A_118 : i32
      %select_n3A_120 = arith.select %and3A_117, %sub3A_119, %div3A : i32
      %mul3A_121 = arith.constant 16 : i32
      %mul3A_122 = arith.muli %select_n3A_120, %mul3A_121 : i32
      %multiple_of3A_123 = tpu.assume_multiple %mul3A_122, 16 : i32
      %sub3A_124 = arith.subi %and3A_100, %multiple_of3A_123 : i32
      %get3A_125 = arith.index_cast %while3A_61 : i32 to index
      %get3A_126 = arith.constant 0 : index
      %get3A_127 = tpu.vector_load %arg11[%get3A_125, %get3A_126] {strides = array<i32>} : memref<256x16xf32, #tpu.memory_space<vmem>>, vector<1x16xf32>,
      %get3A_128 = vector.shape_cast %get3A_127 : vector<1x16xf32> to vector<16xf32>
      %div3A_129 = arith.divf %get3A_128, %get3A_19 : vector<16xf32>
      %max3A_130 = arith.constant -1.270000e+02 : f32
      %max3A_131 = vector.broadcast %max3A_130 : f32 to vector<16xf32>
      %max3A_132 = arith.maximumf %div3A_129, %max3A_131 : vector<16xf32>
      %min3A = arith.constant 1.270000e+02 : f32
      %min3A_133 = vector.broadcast %min3A : f32 to vector<16xf32>
      %min3A_134 = arith.minimumf %max3A_132, %min3A_133 : vector<16xf32>
      %convert_element_type3A = arith.fptosi %min3A_134 : vector<16xf32> to vector<16xi32>
      %xor3A = arith.constant 128 : i32
      %xor3A_135 = vector.broadcast %xor3A : i32 to vector<16xi32>
      %xor3A_136 = arith.xori %convert_element_type3A, %xor3A_135 : vector<16xi32>
      %convert_element_type3A_137 = arith.sitofp %xor3A_136 : vector<16xi32> to vector<16xf32>
      %mul3A_138 = arith.mulf %convert_element_type3A_137, %get3A_19 : vector<16xf32>
      %add3A_139 = arith.constant 0x4B400000 : f32
      %add3A_140 = vector.broadcast %add3A_139 : f32 to vector<16xf32>
      %add3A_141 = arith.addf %min3A_134, %add3A_140 : vector<16xf32>
      %sub3A_142 = arith.constant 0x4B400000 : f32
      %sub3A_143 = vector.broadcast %sub3A_142 : f32 to vector<16xf32>
      %sub3A_144 = arith.subf %add3A_141, %sub3A_143 : vector<16xf32>
      %mul3A_145 = arith.mulf %sub3A_144, %get3A_19 : vector<16xf32>
      %convert_element_type3A_146 = arith.extui %or3A : i1 to i32
      %cond3A = arith.constant 0 : i32
      %cond3A_147 = arith.cmpi ne, %convert_element_type3A_146, %cond3A : i32
      scf.if %cond3A_147 {
        %swap3A_162 = arith.index_cast %select_n3A : i32 to index
        %swap3A_163 = arith.constant 0 : index
        %swap3A_164 = tpu.vector_load %arg12[%swap3A_162, %swap3A_163] {strides = array<i32>} : memref<256x16xf32, #tpu.memory_space<vmem>>, vector<1x16xf32>,
        %swap3A_165 = vector.shape_cast %swap3A_164 : vector<1x16xf32> to vector<16xf32>
        %swap3A_166 = vector.shape_cast %mul3A_145 : vector<16xf32> to vector<1x16xf32>
        tpu.vector_store %arg12[%swap3A_162, %swap3A_163], %swap3A_166 {strides = array<i32>} : memref<256x16xf32, #tpu.memory_space<vmem>>, vector<1x16xf32>,
      } else {
      }
      %get3A_148 = arith.index_cast %select_n3A : i32 to index
      %get3A_149 = arith.constant 0 : index
      %get3A_150 = tpu.vector_load %arg12[%get3A_148, %get3A_149] {strides = array<i32>} : memref<256x16xf32, #tpu.memory_space<vmem>>, vector<1x16xf32>,
      %get3A_151 = vector.shape_cast %get3A_150 : vector<1x16xf32> to vector<16xf32>
      %iota3A = tpu.iota {dimensions = array<i32: 0>} : vector<16xi32>
      %eq3A_152 = vector.broadcast %sub3A_124 : i32 to vector<16xi32>
      %eq3A_153 = arith.cmpi eq, %iota3A, %eq3A_152 : vector<16xi32>
      %select_n3A_154 = arith.select %eq3A_153, %mul3A_138, %get3A_151 : vector<16xi1>, vector<16xf32>
      %swap3A = arith.index_cast %select_n3A : i32 to index
      %swap3A_155 = arith.constant 0 : index
      %swap3A_156 = tpu.vector_load %arg12[%swap3A, %swap3A_155] {strides = array<i32>} : memref<256x16xf32, #tpu.memory_space<vmem>>, vector<1x16xf32>,
      %swap3A_157 = vector.shape_cast %swap3A_156 : vector<1x16xf32> to vector<16xf32>
      %swap3A_158 = vector.shape_cast %select_n3A_154 : vector<16xf32> to vector<1x16xf32>
      tpu.vector_store %arg12[%swap3A, %swap3A_155], %swap3A_158 {strides = array<i32>} : memref<256x16xf32, #tpu.memory_space<vmem>>, vector<1x16xf32>,
      %convert_element_type3A_159 = arith.extui %or3A_97 : i1 to i32
      %cond3A_160 = arith.constant 0 : i32
      %cond3A_161 = arith.cmpi ne, %convert_element_type3A_159, %cond3A_160 : i32
      scf.if %cond3A_161 {
        %dma_start3A = arith.constant 0 : i32
        %dma_start3A_162 = tpu.memref_slice %arg12[%select_n3A, %dma_start3A] : memref<256x16xf32, #tpu.memory_space<vmem>> -> memref<1x16xf32, #tpu.memory_space<vmem>>
        %dma_start3A_163 = tpu.memref_squeeze %dma_start3A_162 : memref<1x16xf32, #tpu.memory_space<vmem>> -> memref<16xf32, #tpu.memory_space<vmem>>
        %dma_start3A_164 = tpu.memref_slice %arg7[%shift_right_arithmetic3A_99, %multiple_of3A_123] : memref<4096x4096xf32, #tpu.memory_space<hbm>> -> memref<1x16xf32, #tpu.memory_space<hbm>>
        %dma_start3A_165 = tpu.memref_squeeze %dma_start3A_164 : memref<1x16xf32, #tpu.memory_space<hbm>> -> memref<16xf32, #tpu.memory_space<hbm>>
        %dma_start3A_166 = tpu.memref_slice %arg7[%shift_right_arithmetic3A_99, %multiple_of3A_123] : memref<4096x4096xf32, #tpu.memory_space<hbm>> -> memref<1x16xf32, #tpu.memory_space<hbm>>
        %dma_start3A_167 = tpu.memref_squeeze %dma_start3A_166 : memref<1x16xf32, #tpu.memory_space<hbm>> -> memref<16xf32, #tpu.memory_space<hbm>>
        %dma_start3A_168 = arith.constant 0 : i32
        %dma_start3A_169 = tpu.memref_slice %arg12[%select_n3A, %dma_start3A_168] : memref<256x16xf32, #tpu.memory_space<vmem>> -> memref<1x16xf32, #tpu.memory_space<vmem>>
        %dma_start3A_170 = tpu.memref_squeeze %dma_start3A_169 : memref<1x16xf32, #tpu.memory_space<vmem>> -> memref<16xf32, #tpu.memory_space<vmem>>
        tpu.enqueue_dma source(%dma_start3A_170 : memref<16xf32, #tpu.memory_space<vmem>>) target(%dma_start3A_167 : memref<16xf32, #tpu.memory_space<hbm>>) target_semaphore(%arg13 : memref<!tpu.dma_semaphore, #tpu.memory_space<semaphore_mem>>)
      } else {
      }
      scf.yield %select_n3A : i32
    }
    %while3A_51 = arith.constant 0 : i32
    %while3A_52 = arith.constant 0 : i32
    %while3A_53 = arith.subi %squeeze3A_16, %while3A_52 : i32
    %while3A_54 = arith.addi %while3A_52, %while3A_53 : i32
    %while3A_55 = arith.constant 1 : i32
    %while3A_56 = arith.divsi %while3A_53, %while3A_55 : i32
    %while3A_57 = arith.muli %while3A_56, %while3A_55 : i32
    %while3A_58 = arith.addi %while3A_52, %while3A_57 : i32
    %while3A_59 = arith.constant 1 : i32
    scf.for %while3A_61 = %while3A_52 to %while3A_58 step %while3A_59  : i32 {
      %add3A_62 = arith.addi %squeeze3A_9, %while3A_61 : i32
      %get3A_63 = arith.index_cast %add3A_62 : i32 to index
      %get3A_64 = tpu.vector_load %arg8[%get3A_63] {strides = array<i32>} : memref<280xi32, #tpu.memory_space<vmem>>, vector<16xi32>,
      %get3A_65 = vector.shape_cast %get3A_64 : vector<16xi32> to vector<16xi32>
      %slice3A_66 = vector.extract_strided_slice %get3A_65 {offsets = [0], sizes = [1], strides = [1]} : vector<16xi32> to vector<1xi32>
      %squeeze3A_67 = vector.extract %slice3A_66[0] : i32 from vector<1xi32>
      %add3A_68 = arith.addi %squeeze3A_9, %while3A_61 : i32
      %add3A_69 = arith.constant 1 : i32
      %add3A_70 = arith.addi %add3A_68, %add3A_69 : i32
      %get3A_71 = arith.index_cast %add3A_70 : i32 to index
      %get3A_72 = tpu.vector_load %arg8[%get3A_71] {strides = array<i32>} : memref<280xi32, #tpu.memory_space<vmem>>, vector<16xi32>,
      %get3A_73 = vector.shape_cast %get3A_72 : vector<16xi32> to vector<16xi32>
      %slice3A_74 = vector.extract_strided_slice %get3A_73 {offsets = [0], sizes = [1], strides = [1]} : vector<16xi32> to vector<1xi32>
      %squeeze3A_75 = vector.extract %slice3A_74[0] : i32 from vector<1xi32>
      %sub3A = arith.constant 1 : i32
      %sub3A_76 = arith.subi %squeeze3A_16, %sub3A : i32
      %eq3A = arith.cmpi eq, %while3A_61, %sub3A_76 : i32
      %shift_right_arithmetic3A = arith.constant 4 : i32
      %shift_right_arithmetic3A_77 = arith.shrsi %squeeze3A_75, %shift_right_arithmetic3A : i32
      %shift_right_arithmetic3A_78 = arith.constant 4 : i32
      %shift_right_arithmetic3A_79 = arith.shrsi %squeeze3A_67, %shift_right_arithmetic3A_78 : i32
      %ne3A = arith.cmpi ne, %shift_right_arithmetic3A_77, %shift_right_arithmetic3A_79 : i32
      %or3A = arith.ori %eq3A, %ne3A : i1
      %convert_element_type3A = arith.extui %or3A : i1 to i32
      %cond3A = arith.constant 0 : i32
      %cond3A_80 = arith.cmpi ne, %convert_element_type3A, %cond3A : i32
      scf.if %cond3A_80 {
        %dma_wait3A = arith.constant 0 : i32
        %dma_wait3A_81 = arith.constant 0 : i32
        %dma_wait3A_82 = arith.constant 0 : i32
        %dma_wait3A_83 = tpu.memref_slice %arg12[%dma_wait3A_81, %dma_wait3A_82] : memref<256x16xf32, #tpu.memory_space<vmem>> -> memref<1x16xf32, #tpu.memory_space<vmem>>
        %dma_wait3A_84 = tpu.memref_squeeze %dma_wait3A_83 : memref<1x16xf32, #tpu.memory_space<vmem>> -> memref<16xf32, #tpu.memory_space<vmem>>
        %dma_wait3A_85 = arith.constant 0 : i32
        %dma_wait3A_86 = tpu.memref_slice %arg5[%dma_wait3A, %dma_wait3A_85] : memref<4096x4096xf32, #tpu.memory_space<hbm>> -> memref<1x16xf32, #tpu.memory_space<hbm>>
        %dma_wait3A_87 = tpu.memref_squeeze %dma_wait3A_86 : memref<1x16xf32, #tpu.memory_space<hbm>> -> memref<16xf32, #tpu.memory_space<hbm>>
        %dma_wait3A_88 = arith.constant 0 : i32
        %dma_wait3A_89 = tpu.memref_slice %arg12[%dma_wait3A_81, %dma_wait3A_88] : memref<256x16xf32, #tpu.memory_space<vmem>> -> memref<1x16xf32, #tpu.memory_space<vmem>>
        %dma_wait3A_90 = tpu.memref_squeeze %dma_wait3A_89 : memref<1x16xf32, #tpu.memory_space<vmem>> -> memref<16xf32, #tpu.memory_space<vmem>>
        %dma_wait3A_91 = arith.constant 0 : i32
        %dma_wait3A_92 = tpu.memref_slice %arg5[%dma_wait3A, %dma_wait3A_91] : memref<4096x4096xf32, #tpu.memory_space<hbm>> -> memref<1x16xf32, #tpu.memory_space<hbm>>
        %dma_wait3A_93 = tpu.memref_squeeze %dma_wait3A_92 : memref<1x16xf32, #tpu.memory_space<hbm>> -> memref<16xf32, #tpu.memory_space<hbm>>
        tpu.wait_dma2 semaphore(%arg13 : memref<!tpu.dma_semaphore, #tpu.memory_space<semaphore_mem>>) src(%dma_wait3A_93 : memref<16xf32, #tpu.memory_space<hbm>>) dst(%dma_wait3A_90 : memref<16xf32, #tpu.memory_space<vmem>>)
      } else {
      }
    }
    %while3A_60 = arith.constant 1 : i32
    scf.for %while3A_61 = %while3A_58 to %while3A_54 step %while3A_60  : i32 {
      %add3A_62 = arith.addi %squeeze3A_9, %while3A_61 : i32
      %get3A_63 = arith.index_cast %add3A_62 : i32 to index
      %get3A_64 = tpu.vector_load %arg8[%get3A_63] {strides = array<i32>} : memref<280xi32, #tpu.memory_space<vmem>>, vector<16xi32>,
      %get3A_65 = vector.shape_cast %get3A_64 : vector<16xi32> to vector<16xi32>
      %slice3A_66 = vector.extract_strided_slice %get3A_65 {offsets = [0], sizes = [1], strides = [1]} : vector<16xi32> to vector<1xi32>
      %squeeze3A_67 = vector.extract %slice3A_66[0] : i32 from vector<1xi32>
      %add3A_68 = arith.addi %squeeze3A_9, %while3A_61 : i32
      %add3A_69 = arith.constant 1 : i32
      %add3A_70 = arith.addi %add3A_68, %add3A_69 : i32
      %get3A_71 = arith.index_cast %add3A_70 : i32 to index
      %get3A_72 = tpu.vector_load %arg8[%get3A_71] {strides = array<i32>} : memref<280xi32, #tpu.memory_space<vmem>>, vector<16xi32>,
      %get3A_73 = vector.shape_cast %get3A_72 : vector<16xi32> to vector<16xi32>
      %slice3A_74 = vector.extract_strided_slice %get3A_73 {offsets = [0], sizes = [1], strides = [1]} : vector<16xi32> to vector<1xi32>
      %squeeze3A_75 = vector.extract %slice3A_74[0] : i32 from vector<1xi32>
      %sub3A = arith.constant 1 : i32
      %sub3A_76 = arith.subi %squeeze3A_16, %sub3A : i32
      %eq3A = arith.cmpi eq, %while3A_61, %sub3A_76 : i32
      %shift_right_arithmetic3A = arith.constant 4 : i32
      %shift_right_arithmetic3A_77 = arith.shrsi %squeeze3A_75, %shift_right_arithmetic3A : i32
      %shift_right_arithmetic3A_78 = arith.constant 4 : i32
      %shift_right_arithmetic3A_79 = arith.shrsi %squeeze3A_67, %shift_right_arithmetic3A_78 : i32
      %ne3A = arith.cmpi ne, %shift_right_arithmetic3A_77, %shift_right_arithmetic3A_79 : i32
      %or3A = arith.ori %eq3A, %ne3A : i1
      %convert_element_type3A = arith.extui %or3A : i1 to i32
      %cond3A = arith.constant 0 : i32
      %cond3A_80 = arith.cmpi ne, %convert_element_type3A, %cond3A : i32
      scf.if %cond3A_80 {
        %dma_wait3A = arith.constant 0 : i32
        %dma_wait3A_81 = arith.constant 0 : i32
        %dma_wait3A_82 = arith.constant 0 : i32
        %dma_wait3A_83 = tpu.memref_slice %arg12[%dma_wait3A_81, %dma_wait3A_82] : memref<256x16xf32, #tpu.memory_space<vmem>> -> memref<1x16xf32, #tpu.memory_space<vmem>>
        %dma_wait3A_84 = tpu.memref_squeeze %dma_wait3A_83 : memref<1x16xf32, #tpu.memory_space<vmem>> -> memref<16xf32, #tpu.memory_space<vmem>>
        %dma_wait3A_85 = arith.constant 0 : i32
        %dma_wait3A_86 = tpu.memref_slice %arg5[%dma_wait3A, %dma_wait3A_85] : memref<4096x4096xf32, #tpu.memory_space<hbm>> -> memref<1x16xf32, #tpu.memory_space<hbm>>
        %dma_wait3A_87 = tpu.memref_squeeze %dma_wait3A_86 : memref<1x16xf32, #tpu.memory_space<hbm>> -> memref<16xf32, #tpu.memory_space<hbm>>
        %dma_wait3A_88 = arith.constant 0 : i32
        %dma_wait3A_89 = tpu.memref_slice %arg12[%dma_wait3A_81, %dma_wait3A_88] : memref<256x16xf32, #tpu.memory_space<vmem>> -> memref<1x16xf32, #tpu.memory_space<vmem>>
        %dma_wait3A_90 = tpu.memref_squeeze %dma_wait3A_89 : memref<1x16xf32, #tpu.memory_space<vmem>> -> memref<16xf32, #tpu.memory_space<vmem>>
        %dma_wait3A_91 = arith.constant 0 : i32
        %dma_wait3A_92 = tpu.memref_slice %arg5[%dma_wait3A, %dma_wait3A_91] : memref<4096x4096xf32, #tpu.memory_space<hbm>> -> memref<1x16xf32, #tpu.memory_space<hbm>>
        %dma_wait3A_93 = tpu.memref_squeeze %dma_wait3A_92 : memref<1x16xf32, #tpu.memory_space<hbm>> -> memref<16xf32, #tpu.memory_space<hbm>>
        tpu.wait_dma2 semaphore(%arg13 : memref<!tpu.dma_semaphore, #tpu.memory_space<semaphore_mem>>) src(%dma_wait3A_93 : memref<16xf32, #tpu.memory_space<hbm>>) dst(%dma_wait3A_90 : memref<16xf32, #tpu.memory_space<vmem>>)
      } else {
      }
    }
    return
  }
}

module attributes {stable_mosaic.version = 14 : i64} {
  func.func @_dense_body(%arg0: i32, %arg1: memref<1xf32, #tpu.memory_space<smem>>, %arg2: memref<512x4096xf32, #tpu.memory_space<vmem>>, %arg3: memref<512x4096xf32, #tpu.memory_space<vmem>>) attributes {dimension_semantics = [#tpu.dimension_semantics<arbitrary>], iteration_bounds = array<i64: 8>, scalar_prefetch = 0 : i64, scratch_operands = 0 : i64, tpu.core_type = #tpu.core_type<tc>, window_params = [{transform_indices = @transform_0, window_bounds = array<i64: 1>}, {transform_indices = @transform_1, window_bounds = array<i64: 512, 4096>}, {transform_indices = @transform_2, window_bounds = array<i64: 512, 4096>}]} {
    %get3A = arith.constant 0 : index
    %get3A_0 = memref.load %arg1[%get3A] : memref<1xf32, #tpu.memory_space<smem>>
    %get3A_1 = arith.constant 0 : index
    %get3A_2 = arith.constant 0 : index
    %get3A_3 = vector.load %arg2[%get3A_1, %get3A_2] : memref<512x4096xf32, #tpu.memory_space<vmem>>, vector<512x4096xf32>
    %div3A = vector.broadcast %get3A_0 : f32 to vector<512x4096xf32>
    %div3A_4 = arith.divf %get3A_3, %div3A : vector<512x4096xf32>
    %jit3A = arith.constant -1.270000e+02 : f32
    %jit3A_5 = arith.constant 1.270000e+02 : f32
    %max3A = vector.broadcast %jit3A : f32 to vector<512x4096xf32>
    %max3A_6 = arith.maximumf %max3A, %div3A_4 : vector<512x4096xf32>
    %min3A = vector.broadcast %jit3A_5 : f32 to vector<512x4096xf32>
    %min3A_7 = arith.minimumf %min3A, %max3A_6 : vector<512x4096xf32>
    %round3A = math.roundeven %min3A_7 : vector<512x4096xf32>
    %mul3A = vector.broadcast %get3A_0 : f32 to vector<512x4096xf32>
    %mul3A_8 = arith.mulf %round3A, %mul3A : vector<512x4096xf32>
    %swap3A = arith.constant 0 : index
    %swap3A_9 = arith.constant 0 : index
    %swap3A_10 = vector.load %arg3[%swap3A, %swap3A_9] : memref<512x4096xf32, #tpu.memory_space<vmem>>, vector<512x4096xf32>
    tpu.vector_store %arg3[%swap3A, %swap3A_9], %mul3A_8 {strides = array<i32>} : memref<512x4096xf32, #tpu.memory_space<vmem>>, vector<512x4096xf32>,
    return
  }
  func.func @transform_0(%arg0: i32) -> i32 {
    %c0_i32 = arith.constant 0 : i32
    %c0_i32_0 = arith.constant 0 : i32
    return %c0_i32 : i32
  }
  func.func @transform_1(%arg0: i32) -> (i32, i32) {
    %c0_i32 = arith.constant 0 : i32
    %c0_i32_0 = arith.constant 0 : i32
    return %arg0, %c0_i32 : i32, i32
  }
  func.func @transform_2(%arg0: i32) -> (i32, i32) {
    %c0_i32 = arith.constant 0 : i32
    %c0_i32_0 = arith.constant 0 : i32
    return %arg0, %c0_i32 : i32, i32
  }
}

</mosaic_0001>

<sc_bundles>
// kernel: kernel.4.cloned.1.call-start
scs
__scs_entry_jumppad:
0x0: {  	(pc) =	sbr.rel $0x88, $3  }
0x1: {  	(tag) =	ssettag $0x0;
	lr =	simm.s32 $0x1  }
0x2: {  	[smem:$0x3F9E] =	sst lr;
	_ =	strace $0xD0000000  }
0x3: {  	_ = 	snop  }
0x4: {  	_ = 	snop  }
0x5: {  	_ = 	snop  }
0x6: {  	_ = 	snop  }
0x7: {  	_ = 	snop  }
__scs_overlays_trampoline_lowered:
0x8: {  	[smem:$0x3FAD] =	sst s0  }
0x9: {  	[smem:$0x3FAE] =	sst s1  }
0xa: {  	[smem:$0x3FAF] =	sst s2  }
0xb: {  	[smem:$0x3FB0] =	sst s3  }
0xc: {  	[smem:$0x3FB1] =	sst s4  }
0xd: {  	[smem:$0x3FB2] =	sst s5  }
0xe: {  	[smem:$0x3FB3] =	sst s6  }
0xf: {  	[smem:$0x3FB4] =	sst s7  }
0x10: {  	[smem:$0x3FB5] =	sst s8  }
0x11: {  	[smem:$0x3FB6] =	sst s9;
	s0 =	simm.s32 @!p0 $0x0  }
0x12: {  	s1 =	sld [smem:$0x3F9C];
	s0 =	simm.s32 @p0 $0x1  }
0x13: {  	[smem:$0x3FB7] =	sst s0;
	s0 =	simm.s32 @!p1 $0x0  }
0x14: {  	s2 =	sld [smem:$0x3F9B];
	s0 =	simm.s32 @p1 $0x1  }
0x15: {  	[smem:$0x3FB8] =	sst s0;
	s0 =	simm.s32 @!p2 $0x0  }
0x16: {  	s3 =	sld [smem:$0x3FDB];
	s0 =	simm.s32 @p2 $0x1  }
0x17: {  	s4 =	simm.s32 $0x1BF5;
	[smem:$0x3FBA] =	sst s0  }
0x18: {  	s0 =	sld [smem:$0x3F9D];
	_ =	swait.ge [sflag:s4], $0x0  }
0x19: {  	s7 =	sld [smem:$0x3F9E]  }
0x1a: {  	s8 =	sadd.s32 $0xFFFFE003, lr  }
0x1b: {  	s9 =	sadd.s32 $0xFFFFFEF7, lr;
	s5 =	simm.s32 $0xFFFFFFFF;
	p2 =	slt.u32 s8, $0xFFFFF086  }
0x1c: {  	p1 =	slt.u32 s9, $0xF7A;
	s5 =	simm.s32 @!p2 $0x0  }
0x1d: {  	s5 =	simm.s32 @p1 $0x1;
	p0 =	seq.s32 s7, s2  }
0x1e: {  	s7 =	smul.u32 @!p0 $0xF7A, s2;
	p2 =	seq.s32 @!p0 s5, $0x0  }
0x1f: {  	s9 =	smul.u32 $0xF7A, s1;
	s8 =	simm.s32 @!p0 $0x1BF5;
	p2 =	por !p2, p0  }
0x20: {  	[sflag:s8] =	ssyncset.s32 @!p0 $0xFFFFF086;
	s6 =	sadd.s32 @!p0 s3, s7;
	s7 =	simm.s32 @!p0 $0x108  }
0x21: {  	s3 =	sadd.s32 s3, s9;
	s6 =	sadd.s32 @!p0 $0x88, s6;
	s7 =	simm.s32 @p2 $0x1082  }
0x22: {  	[simem:s7], [sflag:s8] =	dma.local @!p0 [hbm:s6], $0xF7A  }
0x23: {  	s9 =	sor.u32 $0xD0000000, s2;
	s6 =	simm.s32 $0x108;
	_ =	swait.ge @!p0 [sflag:s8], $0x0  }
0x24: {  	s3 =	sadd.s32 $0x88, s3;
	s6 =	simm.s32 @!p1 $0x1082;
	[sflag:s4] =	ssyncset.s32 $0xFFFFF086  }
0x25: {  	[simem:s6], [sflag:s4] =	dma.local [hbm:s3], $0xF7A  }
0x26: {  	[smem:$0x3F9E] =	sst s1;
	(tag) =	ssettag s2;
	_ =	strace s9  }
0x27: {  	s1 =	sld [smem:$0x3FAE]  }
0x28: {  	s2 =	sld [smem:$0x3FAF]  }
0x29: {  	s4 =	sld [smem:$0x3FB1]  }
0x2a: {  	p0 =	seq.s32 s5, $0x0;
	s5 =	sld [smem:$0x3FB2]  }
0x2b: {  	s6 =	sld [smem:$0x3FB3]  }
0x2c: {  	s7 =	sld [smem:$0x3FB4]  }
0x2d: {  	s3 =	simm.s32 $0x108;
	s8 =	sld [smem:$0x3FB5]  }
0x2e: {  	s3 =	simm.s32 @!p0 $0x1082;
	s9 =	sld [smem:$0x3FB6]  }
0x2f: {  	lr =	sadd.s32 s0, s3;
	s0 =	sld [smem:$0x3FAD]  }
0x30: {  	s3 =	sld [smem:$0x3FB0]  }
0x31: {  	[smem:$0x3FB9] =	sst s10  }
0x32: {  	s10 =	sld [smem:$0x3FB7];
	_ =	sdelay $0x3  }
0x33: {  	p0 =	seq.s32 s10, $0x1;
	s10 =	sld [smem:$0x3FB9];
	_ =	sdelay $0x3  }
0x34: {  	[smem:$0x3FB9] =	sst s10  }
0x35: {  	s10 =	sld [smem:$0x3FB8];
	_ =	sdelay $0x3  }
0x36: {  	p1 =	seq.s32 s10, $0x1;
	s10 =	sld [smem:$0x3FB9];
	_ =	sdelay $0x3  }
0x37: {  	[smem:$0x3FB9] =	sst s10  }
0x38: {  	s10 =	sld [smem:$0x3FBA]  }
0x39: {  	_ = 	snop;
	(pc) =	sbr.ind lr, $3  }
0x3a: {  	_ = 	snop  }
0x3b: {  	_ = 	snop  }
0x3c: {  	p2 =	seq.s32 s10, $0x1;
	s10 =	sld [smem:$0x3FB9]  }
0x3d: {  	_ =	shalt  }
0x3e: {  	_ =	shalt  }
0x3f: {  	_ =	shalt  }
0x40: {  	_ =	shalt  }
0x41: {  	_ =	shalt  }
0x42: {  	_ =	shalt  }
0x43: {  	_ =	shalt  }
0x44: {  	_ =	shalt  }
0x45: {  	_ =	shalt  }
0x46: {  	_ =	shalt  }
0x47: {  	_ =	shalt  }
0x48: {  	_ =	shalt  }
0x49: {  	_ =	shalt  }
0x4a: {  	_ =	shalt  }
0x4b: {  	_ =	shalt  }
0x4c: {  	_ =	shalt  }
0x4d: {  	_ =	shalt  }
0x4e: {  	_ =	shalt  }
0x4f: {  	_ =	shalt  }
0x50: {  	_ =	shalt  }
0x51: {  	_ =	shalt  }
0x52: {  	_ =	shalt  }
0x53: {  	_ =	shalt  }
0x54: {  	_ =	shalt  }
0x55: {  	_ =	shalt  }
0x56: {  	_ =	shalt  }
0x57: {  	_ =	shalt  }
0x58: {  	_ =	shalt  }
0x59: {  	_ =	shalt  }
0x5a: {  	_ =	shalt  }
0x5b: {  	_ =	shalt  }
0x5c: {  	_ =	shalt  }
0x5d: {  	_ =	shalt  }
0x5e: {  	_ =	shalt  }
0x5f: {  	_ =	shalt  }
0x60: {  	_ =	shalt  }
0x61: {  	_ =	shalt  }
0x62: {  	_ =	shalt  }
0x63: {  	_ =	shalt  }
0x64: {  	_ =	shalt  }
0x65: {  	_ =	shalt  }
0x66: {  	_ =	shalt  }
0x67: {  	_ =	shalt  }
0x68: {  	_ =	shalt  }
0x69: {  	_ =	shalt  }
0x6a: {  	_ =	shalt  }
0x6b: {  	_ =	shalt  }
0x6c: {  	_ =	shalt  }
0x6d: {  	_ =	shalt  }
0x6e: {  	_ =	shalt  }
0x6f: {  	_ =	shalt  }
0x70: {  	_ =	shalt  }
0x71: {  	_ =	shalt  }
0x72: {  	_ =	shalt  }
0x73: {  	_ =	shalt  }
0x74: {  	_ =	shalt  }
0x75: {  	_ =	shalt  }
0x76: {  	_ =	shalt  }
0x77: {  	_ =	shalt  }
0x78: {  	_ =	shalt  }
0x79: {  	_ =	shalt  }
0x7a: {  	_ =	shalt  }
0x7b: {  	_ =	shalt  }
0x7c: {  	_ =	shalt  }
0x7d: {  	_ =	shalt  }
0x7e: {  	_ =	shalt  }
0x7f: {  	_ =	shalt  }
0x80: {  	_ =	shalt  }
0x81: {  	_ =	shalt  }
0x82: {  	_ =	shalt  }
0x83: {  	_ =	shalt  }
0x84: {  	_ =	shalt  }
0x85: {  	_ =	shalt  }
0x86: {  	_ =	shalt  }
0x87: {  	_ =	shalt  }
.Lfunc_end0:
.L_simem_size_0:
called_computation_lowered:
.L_overlay_start_0:
0x88: {  	s2 =	sld [smem:$0x3FD9]  }
0x89: {  	s3 =	sld [smem:$0x3FFE];
	_ =	sdelay $0x1  }
0x8a: {  	s1 =	srdreg.scid  }
0x8b: {  	s0 =	sand.u32 $0x1, s1  }
0x8c: {  	s17 =	sshll.u32 s0, $0xA;
	s2 =	sadd.s32 s3, s2  }
0x8d: {  	s2 =	sadd.s32 s2, s17  }
0x8e: {  	[smem:$0x3FC5] =	sst s2  }
0x8f: {  	_ = 	snop  }
0x90: {  	s2 =	sld [smem:$0x3FC9]  }
0x91: {  	s18 =	sld [smem:$0x3FD0];
	(tm) =	ssettm $0x1  }
0x92: {  	s4 =	sld [smem:$0x3FFB];
	_ =	sdelay $0x3  }
0x93: {  	_ =	strace s4  }
0x94: {  	s4 =	sld [smem:$0x3FFC];
	_ =	sdelay $0x3  }
0x95: {  	_ =	strace s4  }
0x96: {  	s4 =	sld [smem:$0x3FFD];
	_ =	sdelay $0x3  }
0x97: {  	_ =	strace s4  }
0x98: {  	_ =	strace $0x8FFFFFFF  }
0x99: {  	s19 =	sld [smem:$0x3FDB];
	_ =	sdelay $0x1  }
0x9a: {  	s5 =	simm.s32 $_scs_section_size  }
0x9b: {  	s6 =	simm.s32 $_size__tile_overlayer_lowered;
	s7 =	simm.s32 $_tile_overlayer_lowered  }
0x9c: {  	s22 =	simm.s32 $0x1BFF;
	s21 =	sshll.u32 s7, $0x1;
	s4 =	sadd.s32 s5, s19  }
0x9d: {  	s8 =	simm.s32 $0x0;
	s20 =	sshll.u32 s6, $0x1;
	s6 =	sadd.s32 s21, s4  }
0x9e: {  	[timem:s8], [sflag:s22] =	dma.local [hbm:s6], s20  }
0x9f: {  	_ =	swait.ge [sflag:s22], s20  }
0xa0: {  	s5 =	ssub.s32 $0x0, s20;
	[sflag:s22] =	ssyncset.done $0x0  }
0xa1: {  	[sflag:s22] =	ssyncadd.s32 s5;
	_ =	sdelay $0x1  }
0xa2: {  	s23 =	simm.s32 $0x1B8B  }
0xa3: {  	_ =	swait.ge [sflag:s23], $0x1  }
0xa4: {  	[sflag:s23] =	ssyncset.done $0x0  }
0xa5: {  	s25 =	simm.s32 $0x1B8E;
	s24 =	sld [smem:$0x3FFE];
	[sflag:s23] =	ssyncadd.s32 $0xFFFFFFFF  }
0xa6: {  	s26 =	simm.s32 $execute0_lowered;
	[smem:$0x3FD2] =	sst s25  }
0xa7: {  	s6 =	sshll.u32 s26, $0x1;
	_ =	strace $0x80000046;
	[dreg:$0x1] =	wrdreg $0xFFFFFFFF  }
0xa8: {  	s28 =	simm.s32 $_size_execute0_lowered;
	s4 =	sadd.s32 s4, s6;
	[dreg:$0x0] =	wrdreg $0x0  }
0xa9: {  	s6 =	sshll.u32 s28, $0x1;
	[dreg:$0x2] =	wrdreg s4  }
0xaa: {  	[dreg:$0x3] =	wrdreg s6  }
0xab: {  	[dreg:$0x4] =	wrdreg $0xC0  }
0xac: {  	_ =	task [dreg:s8], $0x5FFFF  }
0xad: {  	[dreg:$0x1] =	wrdreg $0xFFFFFFFF  }
0xae: {  	[dreg:$0x0] =	wrdreg $0x60  }
0xaf: {  	[dreg:$0x2] =	wrdreg s24  }
0xb0: {  	[dreg:$0x3] =	wrdreg s2  }
0xb1: {  	[dreg:$0x4] =	wrdreg s18  }
0xb2: {  	[dreg:$0x5] =	wrdreg $0x9  }
0xb3: {  	_ =	task.clear_ibuf [dreg:s8], $0x6FFFF;
	_ =	strace $0x90000046  }
0xb4: {  	s29 =	simm.s32 $0x9;
	_ =	strace $0x80000048  }
0xb5: {  	_ =	swait.ge [sflag:s29], $0x1  }
0xb6: {  	[sflag:s29] =	ssyncadd.s32 $0xFFFFFFFF  }
0xb7: {  	_ =	strace $0x90000048  }
0xb8: {  	_ =	sfence  }
0xb9: {  	s30 =	sld [smem:$0x0];
	_ =	sdelay $0x2  }
0xba: {  	s31 =	sshll.u32 s1, $0xD;
	s1 =	sshrl.u32 s1, $0x2  }
0xbb: {  	s3 =	sand.u32 $0x4000, s31;
	s1 =	sadd.s32 s1, s30  }
0xbc: {  	s0 =	sor.u32 s3, s0;
	s1 =	sshll.u32 s1, $0x11  }
0xbd: {  	s0 =	sor.u32 s1, s0  }
0xbe: {  	s0 =	sadd.s32 $0x8F2B, s0  }
0xbf: {  	[sflag:s0] =	ssyncadd.remote.s32 $0x1  }
0xc0: {  	_ =	sfence.sel $0xFFFF  }
0xc1: {  	[dreg:$0x0] =	wrdreg $0xFFFFFFFF;
	(pc) =	sbr.abs _section_cstart, $3  }
0xc2: {  	[dreg:$0x1] =	wrdreg $0xFFFFFFFF  }
0xc3: {  	_ =	task.clear_ibuf [dreg:s8], $0x2FFFF;
	_ =	strace $0x9FFFFFFF  }
0xc4: {  	(tm) =	ssettm $0x7FFFFFFF  }
0xc5: {  	_ =	shalt  }
tec
execute0_lowered:
.L_overlay_start_1:
0x0: {  	(tag) =	ssettag $0x1  }
0x1: {  	s1 =	rddreg [dreg:$0x0]  }
0x2: {  	s2 =	rddreg [dreg:$0x1]  }
0x3: {  	s3 =	rddreg [dreg:$0x2]  }
0x4: {  	s0 =	rddreg [dreg:$0x3]  }
0x5: {  	s5 =	simm.s32 $0x0;
	s6 =	srdreg.scid;
	s4 =	stileid.u32  }
0x6: {  	s11 =	simm.s32 $0x2;
	s12 =	simm.s32 $0x200;
	s13 =	simm.s32 $0x1  }
.Ltmp0:
0x7: {  	s14 =	simm.s32 $0x0;
	s7 =	sand.u32 $0x1, s6;
	(pc) =	sbr.rel .LBB2_1-.Ltmp0, $4  }
0x8: {  	[smem:$0x7FF] =	sst s5;
	s9 =	sshll.u32 s4, $0x1;
	s8 =	ssub.s32 $0x2, s7  }
0x9: {  	s6 =	sadd.s32 $0x400, s1;
	_ =	strace $0x80000047;
	s10 =	sshrl.u32 s8, $0x1  }
0xa: {  	s9 =	sor.u32 s9, s7;
	s7 =	sadd.s32 $0x600, s1;
	s10 =	ssub.s32 s8, s10  }
0xb: {  	v0 =	vlaneseq.u32;
	s8 =	sor.u32 $0x180, s9;
	s9 =	smax.u32 s10, $0x1;
	s10 =	simm.s32 $0x180  }
.LBB2_14:
0xc: {  	[sflag:s19] =	ssyncadd.s32 @!p1 $0xFFFFFFF0  }
.LBB2_15:
0xd: {  	s15 =	sadd.s32 s18, s15  }
0xe: {  	v1 =	vld [tilespmem:s15+$0x0]  }
0xf: {  	v2 =	vld [tilespmem:s15+$0x1];
	_ =	sdelay $0x3  }
0x10: {  	(v2sf) =	vpush v1, $0x0  }
0x11: {  	(v2sf) =	vpush v2, $0x0;
	_ =	sdelay $0xd  }
0x12: {  	s31 =	spop (v2sf)  }
0x13: {  	s17 =	spop (v2sf)  }
0x14: {  	p0 =	seq.s32 s18, s16;
	s15 =	sxor.u32 s31, s17  }
0x15: {  	p1 =	slt.u32 @!p0 s15, $0x10  }
0x16: {  	p0 =	por p0, !p1  }
0x17: {  	_ =	swait.ge @p0 [sflag:s13], $0x10  }
0x18: {  	[sflag:s13] =	ssyncset.done @p0 $0x0  }
0x19: {  	[sflag:s13] =	ssyncadd.s32 @p0 $0xFFFFFFF0  }
.LBB2_16:
0x1a: {  	s14 =	sadd.s32 $0x1, s14  }
0x1b: {  	p0 =	sne.s32 s14, s9  }
.Ltmp1:
0x1c: {  	_ = 	snop;
	(pc) =	sbr.rel @!p0 .LBB2_17-.Ltmp1, $1  }
0x1d: {  	_ =	sdelay $0x3  }
.LBB2_1:
0x1e: {  	[tilespmem:s10], [sflag:$0x2] =	stream.linear.gather [hbm4b:s6+s5], $0x60, $0x38;
	[tilespmem:$0x10280] =	vst v63  }
0x1f: {  	_ =	swait.ge [sflag:s11], $0x60  }
0x20: {  	[sflag:s11] =	ssyncset.done $0x0  }
0x21: {  	[sflag:s11] =	ssyncadd.s32 $0xFFFFFFA0  }
0x22: {  	[tilespmem:s12], [sflag:$0x2] =	stream.linear.gather [hbm4b:s7+s5], $0x80, $0x38;
	[tilespmem:$0x10280] =	vst v63  }
0x23: {  	_ =	swait.ge [sflag:s11], $0x80  }
0x24: {  	[sflag:s11] =	ssyncset.done $0x0  }
0x25: {  	[sflag:s11] =	ssyncadd.s32 $0xFFFFFF80  }
0x26: {  	v1 =	vld [tilespmem:s8+$0x0]  }
0x27: {  	v2 =	vld [tilespmem:s8+$0x20]  }
0x28: {  	v3 =	vld [tilespmem:s8+$0x40];
	_ =	sdelay $0x2  }
0x29: {  	(v2sf) =	vpush v1, $0x0  }
0x2a: {  	(v2sf) =	vpush v2, $0x0  }
0x2b: {  	(v2sf) =	vpush v3, $0x0;
	_ =	sdelay $0xc  }
0x2c: {  	s16 =	spop (v2sf)  }
0x2d: {  	s15 =	spop (v2sf)  }
0x2e: {  	s18 =	spop (v2sf)  }
0x2f: {  	s16 =	sshrl.u32 s16, $0x3;
	p0 =	slt.s32 s18, $0x1  }
.Ltmp2:
0x30: {  	s16 =	sadd.s32 s1, s16;
	(pc) =	sbr.rel @p0 .LBB2_16-.Ltmp2, $4  }
0x31: {  	[tilespmem:s5], [sflag:$0x2] =	stream.linear.gather [hbm4b:s16+s5], $0x108, $0x38;
	[tilespmem:$0x10280] =	vst v63  }
0x32: {  	_ =	swait.ge [sflag:s11], $0x108  }
0x33: {  	[sflag:s11] =	ssyncset.done $0x0  }
0x34: {  	[sflag:s11] =	ssyncadd.s32 $0xFFFFFEF8  }
0x35: {  	p0 =	seq.s32 s18, $0x1  }
.Ltmp3:
0x36: {  	_ = 	snop;
	(pc) =	sbr.rel @p0 .LBB2_3-.Ltmp3, $3  }
0x37: {  	_ =	sdelay $0x1  }
0x38: {  	v1 =	vld [tilespmem:$0x200]  }
0x39: {  	s17 =	simm.s32 $0x280;
	v2 =	vld [tilespmem:s15+$0x0];
	s16 =	sadd.s32 $0xFFFFFFFF, s18;
	p1 =	por $0x0, $0x0  }
0x3a: {  	_ =	sdelay $0x3  }
0x3b: {  	(v2sf) =	vpush v2, $0x0;
	_ =	sdelay $0xe  }
0x3c: {  	s19 =	spop (v2sf)  }
0x3d: {  	s20 =	sshll.u32 s19, $0x3  }
0x3e: {  	s21 =	sshrl.u32 s19, $0x5;
	s19 =	sand.u32 $0xFFFF8070, s19;
	s20 =	sand.u32 $0x7C00, s20  }
0x3f: {  	p2 =	seq.s32 s16, $0x1;
	s21 =	sand.u32 $0x380, s21;
	s19 =	sor.u32 s20, s19  }
.Ltmp4:
0x40: {  	s19 =	sor.u32 s21, s19;
	(pc) =	sbr.rel @p2 .LBB2_5-.Ltmp4, $4  }
0x41: {  	s19 =	sshrl.u32 s19, $0x3  }
0x42: {  	s20 =	sadd.s32 $0x1, s15;
	s19 =	sadd.s32 s2, s19  }
0x43: {  	[tilespmem:s17], [sflag:$0x1] =	stream.linear.gather [hbm4b:s19+s5], $0x10, $0x38;
	[tilespmem:$0x10280] =	vst v63  }
0x44: {  	p1 =	por $0x1, $0x1;
	s21 =	sadd.s32 $0xFFFFFFFF, s16;
	s19 =	simm.s32 $0x280;
	v2 =	vld [tilespmem:s20+$0x0]  }
.LBB2_6:
0x45: {  	p2 =	seq.s32 s21, $0x1;
	_ =	sdelay $0x3  }
0x46: {  	(v2sf) =	vpush v2, $0x0;
	_ =	sdelay $0xe  }
0x47: {  	s22 =	spop (v2sf)  }
0x48: {  	s23 =	sshll.u32 s22, $0x3  }
0x49: {  	s24 =	sshrl.u32 s22, $0x5;
	s22 =	sand.u32 $0xFFFF8070, s22;
	s23 =	sand.u32 $0x7C00, s23  }
0x4a: {  	s24 =	sand.u32 $0x380, s24;
	s22 =	sor.u32 s23, s22  }
.Ltmp5:
0x4b: {  	s22 =	sor.u32 s24, s22;
	(pc) =	sbr.rel @!p2 .LBB2_6-.Ltmp5, $4  }
0x4c: {  	s22 =	sshrl.u32 s22, $0x3  }
0x4d: {  	s20 =	sadd.s32 $0x1, s20;
	s19 =	sadd.s32 $0x80, s19;
	s22 =	sadd.s32 s2, s22  }
0x4e: {  	[tilespmem:s19], [sflag:$0x1] =	stream.linear.gather [hbm4b:s22+s5], $0x10, $0x38;
	[tilespmem:$0x10280] =	vst v63  }
0x4f: {  	s21 =	sadd.s32 $0xFFFFFFFF, s21;
	v2 =	vld [tilespmem:s20+$0x0]  }
.LBB2_7:
0x50: {  	_ =	sdelay $0x3  }
0x51: {  	(v2sf) =	vpush v2, $0x0;
	_ =	sdelay $0xe  }
0x52: {  	s20 =	spop (v2sf)  }
0x53: {  	s21 =	sshll.u32 s20, $0x3  }
0x54: {  	s22 =	sshrl.u32 s20, $0x5;
	s20 =	sand.u32 $0xFFFF8070, s20;
	s21 =	sand.u32 $0x7C00, s21  }
0x55: {  	s22 =	sand.u32 $0x380, s22;
	s20 =	sor.u32 s21, s20  }
0x56: {  	s20 =	sor.u32 s22, s20  }
.Ltmp6:
0x57: {  	s19 =	sadd.s32 @p1 $0x80, s19;
	s20 =	sshrl.u32 s20, $0x3;
	(pc) =	sbr.rel @p0 .LBB2_9-.Ltmp6, $4  }
0x58: {  	s17 =	smov.u32 @p1 s19;
	s20 =	sadd.s32 s2, s20  }
0x59: {  	[tilespmem:s17], [sflag:$0x1] =	stream.linear.gather [hbm4b:s20+s5], $0x10, $0x38;
	[tilespmem:$0x10280] =	vst v63  }
0x5a: {  	_ =	swait.ge [sflag:s13], $0x10  }
0x5b: {  	[sflag:s13] =	ssyncset.done $0x0  }
.LBB2_8:
0x5c: {  	p0 =	seq.s32 s16, $0x1;
	s16 =	sadd.s32 $0xFFFFFFFF, s16;
	[sflag:s13] =	ssyncadd.s32 $0xFFFFFFF0  }
.Ltmp7:
0x5d: {  	(pc) =	sbr.rel @!p0 .LBB2_8-.Ltmp7, $3  }
0x5e: {  	_ =	sdelay $0x1  }
0x5f: {  	_ =	swait.ge [sflag:s13], $0x10  }
0x60: {  	[sflag:s13] =	ssyncset.done $0x0  }
.LBB2_9:
0x61: {  	(erf) = vrcp.f32 v1;
	_ =	sdelay $0x3  }
0x62: {  	p1 =	seq.s32 s18, $0x1  }
.Ltmp8:
0x63: {  	[sflag:s13] =	ssyncadd.s32 $0xFFFFFFF0;
	s16 =	sshll.u32 s15, $0x2;
	(pc) =	sbr.rel @p1 .LBB2_10-.Ltmp8, $4  }
0x64: {  	s17 =	sadd.s32 $0xFFFFFFFF, s15;
	s20 =	simm.s32 $0x8280;
	s22 =	simm.s32 $0x280  }
0x65: {  	s21 =	simm.s32 $0x1;
	p0 =	por $0x0, $0x0;
	[dreg:$0x4] =	wrdreg s17  }
0x66: {  	s19 =	sshra.s32 s16, $0x2;
	s16 =	sadd.s32 $0xFFFFFFFF, s18;
	s23 =	rddreg [dreg:$0x4]  }
0x67: {  	s17 =	sadd.s32 $0x1, s19;
	s19 =	simm.s32 $0x0;
	s25 =	sadd.s32 $0x0, s23;
	v2 =	vpop (erf)  }
0x68: {  	p0 =	sgt.s32 s25, $0x0  }
0x69: {  	s25 =	simm.s32 @!p0 $0x0  }
0x6a: {  	v3 =	vld [tilespmem:s25+$0x0]  }
0x6b: {  	v4 =	vld [tilespmem:s17+$0xFFFFFFFF];
	_ =	sdelay $0x1  }
0x6c: {  	v5 =	vld [tilespmem:s17+$0x0];
	_ =	sdelay $0x1  }
0x6d: {  	(v2sf) =	vpush v3, $0x0  }
0x6e: {  	(v2sf) =	vpush v4, $0x0;
	_ =	sdelay $0x1  }
0x6f: {  	(v2sf) =	vpush v5, $0x0;
	_ =	sdelay $0x7  }
0x70: {  	v3 =	vld [tilespmem:s22+$0x0];
	_ =	sdelay $0x3  }
0x71: {  	s26 =	spop (v2sf)  }
0x72: {  	v3 =	vmul.f32 v3, v2;
	s24 =	spop (v2sf)  }
0x73: {  	s22 =	sshra.s32 s26, $0x4;
	s23 =	sshra.s32 s24, $0x4  }
0x74: {  	p5 =	por $0x1, $0x1;
	v3 =	vmax.f32 v3, $-1.270000000e+02;
	s29 =	spop (v2sf);
	p1 =	sne.s32 s22, s23  }
0x75: {  	v3 =	vmin.f32 v3, $1.270000000e+02;
	s30 =	sshra.s32 s29, $0x4;
	p0 =	por p5, p1  }
0x76: {  	p2 =	seq.s32 s16, $0x0;
	s31 =	rddreg [dreg:$0x4];
	p6 =	sne.s32 s30, s23;
	v4 =	vadd.f32 @p0 $1.258291200e+07, v3  }
0x77: {  	s25 =	sadd.s32 $0x1, s31;
	v3 =	vtrunc.f32 v3;
	p2 =	por p2, p6  }
0x78: {  	p1 =	seq.s32 s18, $0x2;
	s19 =	smov.u32 @p0 s19;
	v3 =	vcvt.f32.s32 v3;
	s22 =	sshll.u32 @p2 s24, $0x3;
	v4 =	vadd.f32 @p0 $-1.258291200e+07, v4  }
.Ltmp9:
0x79: {  	s26 =	sand.u32 @p2 $0xFFFF8070, s24;
	s22 =	sand.u32 @p2 $0x7C00, s22;
	(pc) =	sbr.rel @p1 .LBB2_20-.Ltmp9, $4  }
0x7a: {  	s23 =	simm.s32 $0x2;
	s28 =	sshll.u32 s19, $0x9;
	v3 =	vxor.u32 $0x80, v3;
	s29 =	sor.u32 @p2 s22, s26;
	v4 =	vmul.f32 @p0 v4, v1  }
0x7b: {  	s22 =	sshrl.u32 @p2 s24, $0x5;
	s24 =	sand.u32 $0xF, s24;
	s26 =	sshra.s32 s28, $0x2;
	v5 =	vcvt.s32.f32 v3  }
0x7c: {  	s28 =	sand.u32 @p2 $0x380, s22;
	v6 =	vmov s24;
	s22 =	simm.s32 $0x300;
	s24 =	sadd.s32 $0x1, s17;
	[tilespmem:s20+$0x0] =	vst @p0 v4  }
0x7d: {  	vm0 =	veq.s32 v6, v0;
	s28 =	sor.u32 @p2 s28, s29;
	v4 =	vmul.f32 v5, v1;
	s20 =	simm.s32 $0x8300;
	p0 =	por $0x1, $0x1;
	v3 =	vld [tilespmem:s26+$0x8280]  }
.LBB2_19:
0x7e: {  	_ =	sdelay $0x3  }
0x7f: {  	p1 =	sgt.s32 s25, $0x0;
	s28 =	sshrl.u32 @p2 s28, $0x3;
	s29 =	simm.s32 @p2 $0x0;
	v3 =	vsel vm0, v4, v3  }
0x80: {  	s30 =	sadd.s32 $0x8280, s26;
	s25 =	simm.s32 @!p1 $0x0;
	[tilespmem:s26+$0x8280] =	vst v3;
	s26 =	sadd.s32 @p2 s3, s28  }
0x81: {  	[hbm4b:s26+s29] =	stream.linear.scatter @p2 [tilespmem:s30], [sflag:$0x1], $0x10, $0x38;
	[tilespmem:$0x10280] =	vst v63  }
0x82: {  	v3 =	vld [tilespmem:s25+$0x0]  }
0x83: {  	v4 =	vld [tilespmem:s24+$0xFFFFFFFF];
	_ =	sdelay $0x3  }
0x84: {  	v5 =	vld [tilespmem:s24+$0x0];
	(v2sf) =	vpush v3, $0x0  }
0x85: {  	(v2sf) =	vpush v4, $0x0;
	_ =	sdelay $0x3  }
0x86: {  	(v2sf) =	vpush v5, $0x0;
	_ =	sdelay $0x5  }
0x87: {  	v3 =	vld [tilespmem:s22+$0x0];
	_ =	sdelay $0x3  }
0x88: {  	s30 =	spop (v2sf)  }
0x89: {  	v3 =	vmul.f32 v3, v2;
	s28 =	spop (v2sf)  }
0x8a: {  	s26 =	sshra.s32 s30, $0x4;
	s29 =	sshra.s32 s28, $0x4  }
0x8b: {  	p5 =	seq.s32 s21, $0x0;
	v3 =	vmax.f32 v3, $-1.270000000e+02;
	p3 =	sne.s32 s26, s29  }
0x8c: {  	p4 =	seq.s32 s16, s21;
	s25 =	smov.u32 s23;
	v3 =	vmin.f32 v3, $1.270000000e+02;
	p3 =	por p5, p3  }
0x8d: {  	s23 =	sadd.s32 $0x1, s23;
	s24 =	sadd.s32 $0x1, s24;
	v4 =	vtrunc.f32 v3;
	s31 =	spop (v2sf);
	v3 =	vadd.f32 @p3 $1.258291200e+07, v3  }
0x8e: {  	p1 =	seq.s32 s18, s23;
	s22 =	sadd.s32 $0x80, s22;
	s26 =	sshra.s32 s31, $0x4  }
0x8f: {  	v4 =	vcvt.f32.s32 v4;
	s31 =	sand.u32 $0xF, s28;
	p6 =	sne.s32 s26, s29;
	s19 =	smov.u32 @p3 s21;
	v3 =	vadd.f32 @p3 $-1.258291200e+07, v3  }
.Ltmp10:
0x90: {  	p2 =	por p4, p6;
	s30 =	sshll.u32 s19, $0x9;
	(pc) =	sbr.rel @!p1 .LBB2_19-.Ltmp10, $4  }
0x91: {  	v4 =	vxor.u32 $0x80, v4;
	v5 =	vmov s31;
	s31 =	rddreg [dreg:$0x4];
	s29 =	sshll.u32 @p2 s28, $0x3;
	s26 =	sshra.s32 s30, $0x2;
	v3 =	vmul.f32 @p3 v3, v1  }
0x92: {  	v4 =	vcvt.s32.f32 v4;
	s30 =	sshrl.u32 @p2 s28, $0x5;
	s29 =	sand.u32 @p2 $0x7C00, s29;
	s28 =	sand.u32 @p2 $0xFFFF8070, s28  }
0x93: {  	s21 =	smov.u32 s25;
	s30 =	sand.u32 @p2 $0x380, s30;
	s28 =	sor.u32 @p2 s29, s28;
	[tilespmem:s20+$0x0] =	vst @p3 v3  }
0x94: {  	v4 =	vmul.f32 v4, v1;
	vm0 =	veq.s32 v5, v0;
	s25 =	sadd.s32 s21, s31;
	s28 =	sor.u32 @p2 s30, s28;
	s20 =	sadd.s32 $0x80, s20;
	v3 =	vld [tilespmem:s26+$0x8280]  }
.LBB2_20:
0x95: {  	_ =	sdelay $0x2  }
0x96: {  	p1 =	por !p2, !p0  }
0x97: {  	p2 =	sgt.s32 s25, $0x0;
	s18 =	sshrl.u32 @!p1 s28, $0x3;
	s23 =	simm.s32 @!p1 $0x0;
	v3 =	vsel @p0 vm0, v4, v3  }
0x98: {  	s25 =	simm.s32 @!p2 $0x0;
	s28 =	sadd.s32 @p0 $0x8280, s26;
	s18 =	sadd.s32 @!p1 s3, s18;
	[tilespmem:s26+$0x8280] =	vst @p0 v3  }
0x99: {  	[hbm4b:s18+s23] =	stream.linear.scatter @!p1 [tilespmem:s28], [sflag:$0x1], $0x10, $0x38;
	[tilespmem:$0x10280] =	vst v63  }
0x9a: {  	v3 =	vld [tilespmem:s25+$0x0]  }
0x9b: {  	v62 =	vld [tilespmem:s24+$0xFFFFFFFF];
	_ =	sdelay $0x3  }
0x9c: {  	(v2sf) =	vpush v3, $0x0  }
0x9d: {  	(v2sf) =	vpush v62, $0x0;
	_ =	sdelay $0x2  }
0x9e: {  	v3 =	vld [tilespmem:s24+$0x0];
	_ =	sdelay $0x4  }
0x9f: {  	(v2sf) =	vpush v3, $0x0;
	_ =	sdelay $0x1  }
0xa0: {  	v3 =	vld [tilespmem:s22+$0x0];
	_ =	sdelay $0x3  }
0xa1: {  	s26 =	spop (v2sf)  }
0xa2: {  	v2 =	vmul.f32 v3, v2;
	s22 =	spop (v2sf)  }
0xa3: {  	s18 =	sshra.s32 s26, $0x4;
	s28 =	sshra.s32 s22, $0x4  }
0xa4: {  	p3 =	seq.s32 s21, $0x0;
	v2 =	vmax.f32 v2, $-1.270000000e+02;
	p4 =	sne.s32 s18, s28  }
0xa5: {  	v2 =	vmin.f32 v2, $1.270000000e+02;
	p0 =	por p3, p4  }
0xa6: {  	v3 =	vadd.f32 @p0 $1.258291200e+07, v2;
	_ =	sdelay $0x1  }
0xa7: {  	v3 =	vadd.f32 @p0 $-1.258291200e+07, v3;
	_ =	sdelay $0x1  }
0xa8: {  	s29 =	spop (v2sf);
	s19 =	smov.u32 @p0 s21;
	v2 =	vtrunc.f32 v2;
	v3 =	vmul.f32 @p0 v3, v1  }
0xa9: {  	s18 =	sshra.s32 s29, $0x4;
	v2 =	vcvt.f32.s32 v2;
	s19 =	sshll.u32 s19, $0x9  }
0xaa: {  	p6 =	seq.s32 s16, s21;
	p5 =	sne.s32 s18, s28;
	s30 =	sshra.s32 s19, $0x2;
	[tilespmem:s20+$0x0] =	vst @p0 v3  }
0xab: {  	v2 =	vxor.u32 $0x80, v2;
	p0 =	por p6, p5;
	v3 =	vld [tilespmem:s30+$0x8280]  }
0xac: {  	s31 =	sand.u32 $0xF, s22;
	v2 =	vcvt.s32.f32 v2;
	s20 =	sshll.u32 @p0 s22, $0x3  }
0xad: {  	s21 =	sshrl.u32 @p0 s22, $0x5;
	s22 =	sand.u32 @p0 $0xFFFF8070, s22;
	s20 =	sand.u32 @p0 $0x7C00, s20  }
0xae: {  	v63 =	vmov s31;
	v1 =	vmul.f32 v2, v1;
	s19 =	sand.u32 @p0 $0x380, s21;
	s20 =	sor.u32 @p0 s20, s22  }
0xaf: {  	vm15 =	veq.s32 v63, v0;
	s19 =	sor.u32 @p0 s19, s20  }
0xb0: {  	s19 =	sshrl.u32 @p0 s19, $0x3;
	v1 =	vsel vm15, v1, v3  }
0xb1: {  	s21 =	sadd.s32 $0x8280, s30;
	s20 =	simm.s32 @p0 $0x0;
	s18 =	sadd.s32 @p0 s3, s19;
	[tilespmem:s30+$0x8280] =	vst v1  }
0xb2: {  	[hbm4b:s18+s20] =	stream.linear.scatter @p0 [tilespmem:s21], [sflag:$0x1], $0x10, $0x38;
	[tilespmem:$0x10280] =	vst v63  }
0xb3: {  	p0 =	seq.s32 s16, $0x0  }
.Ltmp11:
0xb4: {  	_ = 	snop;
	(pc) =	sbr.rel @p0 .LBB2_15-.Ltmp11, $2  }
0xb5: {  	_ =	sdelay $0x2  }
0xb6: {  	s18 =	simm.s32 $0x0  }
0xb7: {  	v1 =	vld [tilespmem:s17+$0xFFFFFFFF]  }
0xb8: {  	v2 =	vld [tilespmem:s17+$0x0];
	_ =	sdelay $0x3  }
0xb9: {  	(v2sf) =	vpush v1, $0x0  }
0xba: {  	(v2sf) =	vpush v2, $0x0;
	_ =	sdelay $0xd  }
0xbb: {  	s18 =	sadd.s32 $0x1, s18;
	s19 =	spop (v2sf)  }
0xbc: {  	p0 =	sne.s32 s16, s18;
	s20 =	spop (v2sf)  }
.Ltmp12:
0xbd: {  	s19 =	sxor.u32 s19, s20;
	(pc) =	sbr.rel @!p0 .LBB2_14-.Ltmp12, $4  }
0xbe: {  	p1 =	slt.u32 s19, $0x10  }
0xbf: {  	s19 =	simm.s32 @!p1 $0x1  }
0xc0: {  	_ =	swait.ge @!p1 [sflag:s19], $0x10  }
0xc1: {  	[sflag:s19] =	ssyncset.done @!p1 $0x0  }
.LBB2_13:
0xc2: {  	s18 =	sadd.s32 $0x1, s18;
	[sflag:s19] =	ssyncadd.s32 @!p1 $0xFFFFFFF0;
	s17 =	sadd.s32 $0x1, s17  }
0xc3: {  	v1 =	vld [tilespmem:s17+$0xFFFFFFFF];
	p0 =	sne.s32 s16, s18  }
0xc4: {  	v2 =	vld [tilespmem:s17+$0x0];
	_ =	sdelay $0x3  }
0xc5: {  	(v2sf) =	vpush v1, $0x0  }
0xc6: {  	(v2sf) =	vpush v2, $0x0;
	_ =	sdelay $0xd  }
0xc7: {  	s19 =	spop (v2sf)  }
0xc8: {  	s20 =	spop (v2sf)  }
.Ltmp13:
0xc9: {  	s19 =	sxor.u32 s19, s20;
	(pc) =	sbr.rel @p0 .LBB2_13-.Ltmp13, $4  }
0xca: {  	p1 =	slt.u32 s19, $0x10  }
0xcb: {  	s19 =	simm.s32 @!p1 $0x1  }
0xcc: {  	_ =	swait.ge @!p1 [sflag:s19], $0x10  }
0xcd: {  	[sflag:s19] =	ssyncset.done @!p1 $0x0  }
.Ltmp14:
0xce: {  	_ = 	snop;
	(pc) =	sbr.rel .LBB2_14-.Ltmp14, $1  }
0xcf: {  	_ =	sdelay $0x3  }
.LBB2_3:
.Ltmp15:
0xd0: {  	(pc) =	sbr.rel .LBB2_7-.Ltmp15, $2  }
0xd1: {  	_ =	sdelay $0x2  }
0xd2: {  	s19 =	simm.s32 $0x280  }
.LBB2_10:
.Ltmp16:
0xd3: {  	(pc) =	sbr.rel .LBB2_20-.Ltmp16, $2  }
0xd4: {  	_ =	sdelay $0x2  }
0xd5: {  	s24 =	smov.u32 s17;
	s21 =	simm.s32 $0x0  }
.LBB2_5:
.Ltmp17:
0xd6: {  	(pc) =	sbr.rel .LBB2_7-.Ltmp17, $2  }
0xd7: {  	_ =	sdelay $0x2  }
0xd8: {  	s19 =	simm.s32 $0x280  }
.LBB2_17:
0xd9: {  	_ =	sfence.sel $0x180000  }
0xda: {  	[bflag:$0x0] =	sbarrier.arrive $0xFFFF  }
0xdb: {  	p0 =	sne.s32 s4, $0x0;
	_ =	strace $0x90000047  }
0xdc: {  	s0 =	sadd.s32 @!p0 $0x100000, s0;
	[bflag:$0x2] =	sbarrier.arrive $0xFFFF  }
0xdd: {  	[sflag:s0] =	ssyncadd.tile.s32 @!p0 $0x1;
	_ =	shalt  }
.Lfunc_end2:
_tile_overlayer_lowered:
.L_overlay_start_2:
0xde: {  	(tag) =	ssettag $0x2  }
0xdf: {  	s0 =	rddreg [dreg:$0x0];
	s2 =	stileid.u32  }
0xe0: {  	s1 =	rddreg [dreg:$0x1];
	p0 =	sne.s32 s2, $0x0  }
0xe1: {  	s3 =	rddreg [dreg:$0x2];
	[bflag:$0x3] =	sbarrier.arrive $0xFFFF;
	s2 =	simm.s32 @!p0 $0x1C02  }
0xe2: {  	[timem:s3], [sflag:s2] =	dma.local @!p0 [hbm:s0], s1  }
0xe3: {  	s0 =	simm.s32 @!p0 $0x2  }
0xe4: {  	_ =	swait.ge @!p0 [sflag:s0], s1  }
0xe5: {  	s1 =	ssub.s32 @!p0 $0x0, s1;
	[sflag:s0] =	ssyncset.done @!p0 $0x0  }
0xe6: {  	[sflag:s0] =	ssyncadd.s32 @!p0 s1  }
0xe7: {  	[bflag:$0x3] =	sbarrier.arrive $0xFFFF  }
0xe8: {  	_ =	shalt  }

</sc_bundles>
